<compile_context>
chip_gen: v7x
topology: tpu7x:2x2x1
jax: 0.10.2.dev20260603
libtpu: 0.0.44.dev20260713+nightly
codegen_flags: <defaults>
</compile_context>

<pallas_src>
import functools

import jax
import jax.numpy as jnp
from jax import lax
from jax.experimental import pallas as pl
from jax.experimental.pallas import tpu as pltpu
from jax.experimental.pallas import tpu_sc as plsc


def _dlogit_kernel(h_ref, wt_ref, b_ref, out_ref):
    bd = b_ref[:, 1] - b_ref[:, 0]
    hb = h_ref[...].astype(jnp.bfloat16)
    acc = lax.dot_general(
        hb, wt_ref[...], (((1,), (1,)), ((), ())),
        preferred_element_type=jnp.float32,
    )
    dm = acc + bd[None, :]
    mp2 = dm.shape[1] // 2
    lob = jax.lax.bitcast_convert_type(dm[:, :mp2], jnp.int32)
    hib = jax.lax.bitcast_convert_type(dm[:, mp2:], jnp.int32)
    lor = ((lob + 0x7FFF + ((lob >> 16) & 1)) >> 16) & 0xFFFF
    hir = ((hib + 0x7FFF + ((hib >> 16) & 1)) >> 16) & 0xFFFF
    out_ref[...] = lor | (hir << 16)


def _dlogit_matmul(h, wt, b, Mp):
    N, H = h.shape
    BN = 512
    return pl.pallas_call(
        _dlogit_kernel,
        grid=(N // BN,),
        in_specs=[
            pl.BlockSpec((BN, H), lambda i: (i, 0)),
            pl.BlockSpec((Mp, H), lambda i: (0, 0)),
            pl.BlockSpec((Mp, 2), lambda i: (0, 0)),
        ],
        out_specs=pl.BlockSpec((BN, Mp // 2), lambda i: (i, 0)),
        out_shape=jax.ShapeDtypeStruct((N, Mp // 2), jnp.int32),
    )(h, wt, b)


def _path_loss_sc(dpack, tgt, codes, D):
    N, MP2 = dpack.shape
    V, DP = codes.shape
    info = plsc.get_sparse_core_info()
    NC, NS, L = info.num_cores, info.num_subcores, info.num_lanes
    NW = NC * NS
    TPW = N // NW
    G = TPW // L

    @functools.partial(
        pl.kernel,
        mesh=plsc.VectorSubcoreMesh(core_axis_name="c", subcore_axis_name="s"),
        out_type=jax.ShapeDtypeStruct((NW, L), jnp.float32),
        compiler_params=pltpu.CompilerParams(needs_layout_passes=False),
        scratch_types=[
            pltpu.VMEM((TPW,), jnp.int32),
            pltpu.VMEM((TPW, MP2), jnp.int32),
            pltpu.VMEM((V, DP), jnp.int32),
            pltpu.VMEM((L,), jnp.float32),
            pltpu.SemaphoreType.DMA,
        ],
    )
    def k(dpack_hbm, tgt_hbm, codes_hbm, out_hbm, tgt_v, d_v, c_v, o_v, sem):
        wid = lax.axis_index("s") * NC + lax.axis_index("c")
        base = wid * TPW
        dcp = pltpu.async_copy(dpack_hbm.at[pl.ds(base, TPW)], d_v, sem)
        pltpu.sync_copy(tgt_hbm.at[pl.ds(base, TPW)], tgt_v)
        pltpu.sync_copy(codes_hbm, c_v)
        dcp.wait()

        lanes = lax.iota(jnp.int32, L)
        one = jnp.float32(1.0)
        half = jnp.float32(0.5)
        c3 = jnp.float32(2.99903404e-04)
        c2 = jnp.float32(-5.17901292e-03)
        c1 = jnp.float32(1.24993603e-01)
        c0 = jnp.float32(6.93147497e-01)
        topmask = jnp.full((L,), -65536, jnp.int32)

        def body_g(g, acc):
            tok = g * L + lanes
            v = tgt_v[pl.ds(g * L, L)]
            for j in range(D):
                jv = jnp.full((L,), j, jnp.int32)
                c = plsc.load_gather(c_v, [v, jv])
                maskf = (c & 1).astype(jnp.float32)
                sig = ((c >> 1) & 1).astype(jnp.float32) * 2.0 - one
                m = c >> 2
                pair = plsc.load_gather(d_v, [tok, m & 255])
                dbits = (pair << ((1 - (m >> 8)) * 16)) & topmask
                d = plsc.bitcast(dbits, jnp.float32)
                x = sig * d
                p = one / (one + jnp.exp(-x))
                r = p + p - one
                q = r * r
                s = half + (((c3 * q + c2) * q + c1) * q + c0)
                acc = acc - maskf * (p - s)
            return acc

        acc = lax.fori_loop(0, G, body_g, jnp.zeros((L,), jnp.float32))
        o_v[...] = acc
        pltpu.sync_copy(o_v, out_hbm.at[wid])

    return k(dpack, tgt, codes)


def kernel(hidden, target, W, b, path_nodes, path_bits, path_mask):
    H = hidden.shape[-1]
    h = hidden.reshape(-1, H)
    t = target.reshape(-1).astype(jnp.int32)
    M = W.shape[0]
    Mp = (M + 127) // 128 * 128

    D = path_nodes.shape[1]
    codes = (
        (path_nodes.astype(jnp.int32) << 2)
        | (path_bits.astype(jnp.int32) << 1)
        | path_mask.astype(jnp.int32)
    )
    codes = jnp.pad(codes, ((0, 0), (0, 1)))

    Wr = W.reshape(M, 2 * H)
    wt = (Wr[:, H:] - Wr[:, :H]).astype(jnp.bfloat16)

    dpack = _dlogit_matmul(h, wt, b, Mp)
    partial = _path_loss_sc(dpack, t, codes, D)
    return jnp.sum(partial)

# --- scband reference (transcript-rebuilt; emitter-appended) ---
"""Pipeline reference for scband-huffman-tree-24335284699569 (READ-ONLY COPY).

The authoritative reference and input builder live on the scoring server;
editing this copy changes nothing except your own understanding.
"""

import jax, jax.numpy as jnp
import numpy as np
import heapq

V, H, B, S = 512, 768, 2, 2048

def build_paths(freqs):
    Vn = len(freqs)
    heap = [(int(f), i, ('leaf', i)) for i, f in enumerate(freqs)]
    heapq.heapify(heap)
    cnt = Vn
    children = []
    while len(heap) > 1:
        f1, _, n1 = heapq.heappop(heap)
        f2, _, n2 = heapq.heappop(heap)
        children.append((n1, n2))
        heapq.heappush(heap, (f1 + f2, cnt, ('internal', len(children) - 1)))
        cnt += 1
    root = heap[0][2]
    paths = {}
    stack = [(root, [], [])]
    while stack:
        node, pn, pb = stack.pop()
        kind, idx = node
        if kind == 'leaf':
            paths[idx] = (pn, pb)
        else:
            l, r = children[idx]
            stack.append((l, pn + [idx], pb + [0]))
            stack.append((r, pn + [idx], pb + [1]))
    D = max(len(p[0]) for p in paths.values())
    path_nodes = np.zeros((Vn, D), np.int32)
    path_bits = np.zeros((Vn, D), np.int32)
    path_mask = np.zeros((Vn, D), np.float32)
    for t, (pn, pb) in paths.items():
        L = len(pn)
        path_nodes[t, :L] = pn
        path_bits[t, :L] = pb
        path_mask[t, :L] = 1.0
    return path_nodes, path_bits, path_mask, len(children)

def setup_inputs(seed: int = 0) -> dict:
    key = jax.random.key(seed)
    rng = np.random.RandomState(0)
    freqs = rng.randint(1, 10000, size=V)
    path_nodes, path_bits, path_mask, M = build_paths(freqs)
    k1, k2, k3 = jax.random.split(key, 3)
    hidden = jax.random.normal(k1, (B, S, H), dtype=jnp.float32)
    target = jax.random.randint(k2, (B, S), 0, V)
    W = jax.random.normal(k3, (M, 2, H), dtype=jnp.float32) * 0.02
    b = jnp.zeros((M, 2), dtype=jnp.float32)
    return {
        'hidden': hidden,
        'target': target,
        'W': W,
        'b': b,
        'path_nodes': jnp.asarray(path_nodes),
        'path_bits': jnp.asarray(path_bits),
        'path_mask': jnp.asarray(path_mask),
    }

def reference(hidden, target, W, b, path_nodes, path_bits, path_mask):
    # Flatten tokens like torch: hidden.reshape(-1, H), target.reshape(-1)
    h = hidden.reshape(-1, hidden.shape[-1])  # [N, H]
    t = target.reshape(-1)                    # [N]
    # Compute logits at every internal node (mathematically identical to the
    # per-node nn.Linear(hidden_size, 2) applied along each Huffman path)
    all_logits = jnp.einsum('nh,mkh->nmk', h, W) + b  # [N, M, 2]
    nodes = path_nodes[t]  # [N, D]
    bits = path_bits[t]    # [N, D]
    mask = path_mask[t]    # [N, D]
    logits = jnp.take_along_axis(all_logits, nodes[:, :, None], axis=1)  # [N, D, 2]
    # Original applies Softmax inside Node.forward, then CrossEntropyLoss on the
    # softmax output (double softmax) -> CE(probs, bit) = -log_softmax(probs)[bit]
    probs = jax.nn.softmax(logits, axis=-1)
    logp = jax.nn.log_softmax(probs, axis=-1)
    picked = jnp.take_along_axis(logp, bits[:, :, None], axis=-1)[..., 0]  # [N, D]
    # Each CE call has batch=1 so mean==value; torch accumulates a running SUM
    loss = -jnp.sum(picked * mask)
    return loss

if __name__ == "__main__":
    import jax
    _d = setup_inputs()
    print(jax.jit(kernel)(*tuple(_d.values())))

</pallas_src>

<mosaic_0001>
#map = affine_map<(d0, d1) -> (0, 0)>
#map1 = affine_map<(d0, d1) -> (0)>
module attributes {stable_mosaic.version = 14 : i64} {
  func.func @k(%arg0: i32, %arg1: i32, %arg2: memref<4096x256xi32, #tpu.memory_space<hbm>>, %arg3: memref<4096xi32, #tpu.memory_space<hbm>>, %arg4: memref<512x17xi32, #tpu.memory_space<hbm>>, %arg5: memref<32x16xf32, #tpu.memory_space<hbm>>, %arg6: memref<128xi32, #tpu.memory_space<vmem>>, %arg7: memref<128x256xi32, #tpu.memory_space<vmem>>, %arg8: memref<512x17xi32, #tpu.memory_space<vmem>>, %arg9: memref<16xf32, #tpu.memory_space<vmem>>, %arg10: memref<!tpu.dma_semaphore, #tpu.memory_space<semaphore_mem>>) attributes {dimension_semantics = [#tpu.dimension_semantics<core_parallel>, #tpu.dimension_semantics<subcore_parallel>], iteration_bounds = array<i64: 2, 16>, scalar_prefetch = 0 : i64, scratch_operands = 5 : i64, tpu.core_type = #tpu.core_type<sc_vector_subcore>, window_params = [{transform_indices = #map}, {transform_indices = #map1}, {transform_indices = #map}, {transform_indices = #map}]} {
    %mul3A = arith.constant 2 : i32
    %mul3A_0 = arith.muli %arg1, %mul3A : i32
    %add3A = arith.addi %mul3A_0, %arg0 : i32
    %mul3A_1 = arith.constant 128 : i32
    %mul3A_2 = arith.muli %add3A, %mul3A_1 : i32
    %dma_start3A = arith.constant 0 : i32
    %dma_start3A_3 = tpu.memref_slice %arg2[%mul3A_2, %dma_start3A] : memref<4096x256xi32, #tpu.memory_space<hbm>> -> memref<128x256xi32, #tpu.memory_space<hbm>>
    %dma_start3A_4 = arith.constant 0 : i32
    %dma_start3A_5 = tpu.memref_slice %arg2[%mul3A_2, %dma_start3A_4] : memref<4096x256xi32, #tpu.memory_space<hbm>> -> memref<128x256xi32, #tpu.memory_space<hbm>>
    tpu.enqueue_dma source(%dma_start3A_5 : memref<128x256xi32, #tpu.memory_space<hbm>>) target(%arg7 : memref<128x256xi32, #tpu.memory_space<vmem>>) target_semaphore(%arg10 : memref<!tpu.dma_semaphore, #tpu.memory_space<semaphore_mem>>)
    "tpu.region"() ({
      %run_scoped3A = tpu.sem_alloc : memref<!tpu.dma_semaphore, #tpu.memory_space<semaphore_mem>>
      %dma_start3A_24 = tpu.memref_slice %arg3[%mul3A_2] : memref<4096xi32, #tpu.memory_space<hbm>> -> memref<128xi32, #tpu.memory_space<hbm>>
      %dma_start3A_25 = tpu.memref_slice %arg3[%mul3A_2] : memref<4096xi32, #tpu.memory_space<hbm>> -> memref<128xi32, #tpu.memory_space<hbm>>
      tpu.enqueue_dma source(%dma_start3A_25 : memref<128xi32, #tpu.memory_space<hbm>>) target(%arg6 : memref<128xi32, #tpu.memory_space<vmem>>) target_semaphore(%run_scoped3A : memref<!tpu.dma_semaphore, #tpu.memory_space<semaphore_mem>>)
      %dma_wait3A_26 = tpu.memref_slice %arg3[%mul3A_2] : memref<4096xi32, #tpu.memory_space<hbm>> -> memref<128xi32, #tpu.memory_space<hbm>>
      %dma_wait3A_27 = tpu.memref_slice %arg3[%mul3A_2] : memref<4096xi32, #tpu.memory_space<hbm>> -> memref<128xi32, #tpu.memory_space<hbm>>
      tpu.wait_dma2 semaphore(%run_scoped3A : memref<!tpu.dma_semaphore, #tpu.memory_space<semaphore_mem>>) src(%dma_wait3A_27 : memref<128xi32, #tpu.memory_space<hbm>>) dst(%arg6 : memref<128xi32, #tpu.memory_space<vmem>>)
      tpu.yield
    }) : () -> ()
    "tpu.region"() ({
      %run_scoped3A = tpu.sem_alloc : memref<!tpu.dma_semaphore, #tpu.memory_space<semaphore_mem>>
      tpu.enqueue_dma source(%arg4 : memref<512x17xi32, #tpu.memory_space<hbm>>) target(%arg8 : memref<512x17xi32, #tpu.memory_space<vmem>>) target_semaphore(%run_scoped3A : memref<!tpu.dma_semaphore, #tpu.memory_space<semaphore_mem>>)
      tpu.wait_dma2 semaphore(%run_scoped3A : memref<!tpu.dma_semaphore, #tpu.memory_space<semaphore_mem>>) src(%arg4 : memref<512x17xi32, #tpu.memory_space<hbm>>) dst(%arg8 : memref<512x17xi32, #tpu.memory_space<vmem>>)
      tpu.yield
    }) : () -> ()
    %dma_wait3A = arith.constant 0 : i32
    %dma_wait3A_6 = tpu.memref_slice %arg2[%mul3A_2, %dma_wait3A] : memref<4096x256xi32, #tpu.memory_space<hbm>> -> memref<128x256xi32, #tpu.memory_space<hbm>>
    %dma_wait3A_7 = arith.constant 0 : i32
    %dma_wait3A_8 = tpu.memref_slice %arg2[%mul3A_2, %dma_wait3A_7] : memref<4096x256xi32, #tpu.memory_space<hbm>> -> memref<128x256xi32, #tpu.memory_space<hbm>>
    tpu.wait_dma2 semaphore(%arg10 : memref<!tpu.dma_semaphore, #tpu.memory_space<semaphore_mem>>) src(%dma_wait3A_8 : memref<128x256xi32, #tpu.memory_space<hbm>>) dst(%arg7 : memref<128x256xi32, #tpu.memory_space<vmem>>)
    %iota3A = tpu.iota {dimensions = array<i32: 0>} : vector<16xi32>
    %broadcast_in_dim3A = arith.constant -65536 : i32
    %broadcast_in_dim3A_9 = vector.broadcast %broadcast_in_dim3A : i32 to vector<16xi32>
    %broadcast_in_dim3A_10 = arith.constant 0.000000e+00 : f32
    %broadcast_in_dim3A_11 = vector.broadcast %broadcast_in_dim3A_10 : f32 to vector<16xf32>
    %scan3A = arith.constant 1.000000e+00 : f32
    %scan3A_12 = arith.constant 2.9990339E-4 : f32
    %scan3A_13 = arith.constant -0.00517901313 : f32
    %scan3A_14 = arith.constant 0.1249936 : f32
    %scan3A_15 = arith.constant 0.69314748 : f32
    %scan3A_16 = arith.constant 5.000000e-01 : f32
    %scan3A_17 = arith.constant 0 : i32
    %scan3A_18 = arith.constant 8 : i32
    %scan3A_19 = arith.addi %scan3A_17, %scan3A_18 : i32
    %scan3A_20 = arith.constant 1 : i32
    %scan3A_21 = scf.for %scan3A_24 = %scan3A_17 to %scan3A_19 step %scan3A_20 iter_args(%scan3A_25 = %broadcast_in_dim3A_11) -> (vector<16xf32>)  : i32 {
      %mul3A_26 = arith.constant 16 : i32
      %mul3A_27 = arith.muli %scan3A_24, %mul3A_26 : i32
      %add3A_28 = vector.broadcast %mul3A_27 : i32 to vector<16xi32>
      %add3A_29 = arith.addi %add3A_28, %iota3A : vector<16xi32>
      %mul3A_30 = arith.constant 16 : i32
      %mul3A_31 = arith.muli %scan3A_24, %mul3A_30 : i32
      %get3A = arith.index_cast %mul3A_31 : i32 to index
      %get3A_32 = tpu.vector_load %arg6[%get3A] {strides = array<i32>} : memref<128xi32, #tpu.memory_space<vmem>>, vector<16xi32>,
      %broadcast_in_dim3A_33 = arith.constant 0 : i32
      %broadcast_in_dim3A_34 = vector.broadcast %broadcast_in_dim3A_33 : i32 to vector<16xi32>
      %gather3A = tpu.vector_load_idx %arg8[%get3A_32, %broadcast_in_dim3A_34] : memref<512x17xi32, #tpu.memory_space<vmem>>[vector<16xi32>, vector<16xi32>], vector<16xi32>,
      %and3A = arith.constant 1 : i32
      %and3A_35 = vector.broadcast %and3A : i32 to vector<16xi32>
      %and3A_36 = arith.andi %gather3A, %and3A_35 : vector<16xi32>
      %convert_element_type3A = arith.sitofp %and3A_36 : vector<16xi32> to vector<16xf32>
      %shift_right_arithmetic3A = arith.constant 1 : i32
      %shift_right_arithmetic3A_37 = vector.broadcast %shift_right_arithmetic3A : i32 to vector<16xi32>
      %shift_right_arithmetic3A_38 = arith.shrsi %gather3A, %shift_right_arithmetic3A_37 : vector<16xi32>
      %and3A_39 = arith.constant 1 : i32
      %and3A_40 = vector.broadcast %and3A_39 : i32 to vector<16xi32>
      %and3A_41 = arith.andi %shift_right_arithmetic3A_38, %and3A_40 : vector<16xi32>
      %convert_element_type3A_42 = arith.sitofp %and3A_41 : vector<16xi32> to vector<16xf32>
      %mul3A_43 = arith.constant 2.000000e+00 : f32
      %mul3A_44 = vector.broadcast %mul3A_43 : f32 to vector<16xf32>
      %mul3A_45 = arith.mulf %convert_element_type3A_42, %mul3A_44 : vector<16xf32>
      %sub3A = vector.broadcast %scan3A : f32 to vector<16xf32>
      %sub3A_46 = arith.subf %mul3A_45, %sub3A : vector<16xf32>
      %shift_right_arithmetic3A_47 = arith.constant 2 : i32
      %shift_right_arithmetic3A_48 = vector.broadcast %shift_right_arithmetic3A_47 : i32 to vector<16xi32>
      %shift_right_arithmetic3A_49 = arith.shrsi %gather3A, %shift_right_arithmetic3A_48 : vector<16xi32>
      %and3A_50 = arith.constant 255 : i32
      %and3A_51 = vector.broadcast %and3A_50 : i32 to vector<16xi32>
      %and3A_52 = arith.andi %shift_right_arithmetic3A_49, %and3A_51 : vector<16xi32>
      %gather3A_53 = tpu.vector_load_idx %arg7[%add3A_29, %and3A_52] : memref<128x256xi32, #tpu.memory_space<vmem>>[vector<16xi32>, vector<16xi32>], vector<16xi32>,
      %shift_right_arithmetic3A_54 = arith.constant 8 : i32
      %shift_right_arithmetic3A_55 = vector.broadcast %shift_right_arithmetic3A_54 : i32 to vector<16xi32>
      %shift_right_arithmetic3A_56 = arith.shrsi %shift_right_arithmetic3A_49, %shift_right_arithmetic3A_55 : vector<16xi32>
      %sub3A_57 = arith.constant 1 : i32
      %sub3A_58 = vector.broadcast %sub3A_57 : i32 to vector<16xi32>
      %sub3A_59 = arith.subi %sub3A_58, %shift_right_arithmetic3A_56 : vector<16xi32>
      %mul3A_60 = arith.constant 16 : i32
      %mul3A_61 = vector.broadcast %mul3A_60 : i32 to vector<16xi32>
      %mul3A_62 = arith.muli %sub3A_59, %mul3A_61 : vector<16xi32>
      %shift_left3A = arith.shli %gather3A_53, %mul3A_62 : vector<16xi32>
      %and3A_63 = arith.andi %shift_left3A, %broadcast_in_dim3A_9 : vector<16xi32>
      %bitcast3A = vector.bitcast %and3A_63 : vector<16xi32> to vector<16xf32>
      %mul3A_64 = arith.mulf %sub3A_46, %bitcast3A : vector<16xf32>
      %neg3A = arith.constant 0.000000e+00 : f32
      %neg3A_65 = vector.broadcast %neg3A : f32 to vector<16xf32>
      %neg3A_66 = arith.subf %neg3A_65, %mul3A_64 : vector<16xf32>
      %exp3A = math.exp %neg3A_66 : vector<16xf32>
      %add3A_67 = vector.broadcast %scan3A : f32 to vector<16xf32>
      %add3A_68 = arith.addf %add3A_67, %exp3A : vector<16xf32>
      %div3A = vector.broadcast %scan3A : f32 to vector<16xf32>
      %div3A_69 = arith.divf %div3A, %add3A_68 : vector<16xf32>
      %add3A_70 = arith.addf %div3A_69, %div3A_69 : vector<16xf32>
      %sub3A_71 = vector.broadcast %scan3A : f32 to vector<16xf32>
      %sub3A_72 = arith.subf %add3A_70, %sub3A_71 : vector<16xf32>
      %mul3A_73 = arith.mulf %sub3A_72, %sub3A_72 : vector<16xf32>
      %mul3A_74 = vector.broadcast %scan3A_12 : f32 to vector<16xf32>
      %mul3A_75 = arith.mulf %mul3A_74, %mul3A_73 : vector<16xf32>
      %add3A_76 = vector.broadcast %scan3A_13 : f32 to vector<16xf32>
      %add3A_77 = arith.addf %mul3A_75, %add3A_76 : vector<16xf32>
      %mul3A_78 = arith.mulf %add3A_77, %mul3A_73 : vector<16xf32>
      %add3A_79 = vector.broadcast %scan3A_14 : f32 to vector<16xf32>
      %add3A_80 = arith.addf %mul3A_78, %add3A_79 : vector<16xf32>
      %mul3A_81 = arith.mulf %add3A_80, %mul3A_73 : vector<16xf32>
      %add3A_82 = vector.broadcast %scan3A_15 : f32 to vector<16xf32>
      %add3A_83 = arith.addf %mul3A_81, %add3A_82 : vector<16xf32>
      %add3A_84 = vector.broadcast %scan3A_16 : f32 to vector<16xf32>
      %add3A_85 = arith.addf %add3A_84, %add3A_83 : vector<16xf32>
      %sub3A_86 = arith.subf %div3A_69, %add3A_85 : vector<16xf32>
      %mul3A_87 = arith.mulf %convert_element_type3A, %sub3A_86 : vector<16xf32>
      %sub3A_88 = arith.subf %scan3A_25, %mul3A_87 : vector<16xf32>
      %broadcast_in_dim3A_89 = arith.constant 1 : i32
      %broadcast_in_dim3A_90 = vector.broadcast %broadcast_in_dim3A_89 : i32 to vector<16xi32>
      %gather3A_91 = tpu.vector_load_idx %arg8[%get3A_32, %broadcast_in_dim3A_90] : memref<512x17xi32, #tpu.memory_space<vmem>>[vector<16xi32>, vector<16xi32>], vector<16xi32>,
      %and3A_92 = arith.constant 1 : i32
      %and3A_93 = vector.broadcast %and3A_92 : i32 to vector<16xi32>
      %and3A_94 = arith.andi %gather3A_91, %and3A_93 : vector<16xi32>
      %convert_element_type3A_95 = arith.sitofp %and3A_94 : vector<16xi32> to vector<16xf32>
      %shift_right_arithmetic3A_96 = arith.constant 1 : i32
      %shift_right_arithmetic3A_97 = vector.broadcast %shift_right_arithmetic3A_96 : i32 to vector<16xi32>
      %shift_right_arithmetic3A_98 = arith.shrsi %gather3A_91, %shift_right_arithmetic3A_97 : vector<16xi32>
      %and3A_99 = arith.constant 1 : i32
      %and3A_100 = vector.broadcast %and3A_99 : i32 to vector<16xi32>
      %and3A_101 = arith.andi %shift_right_arithmetic3A_98, %and3A_100 : vector<16xi32>
      %convert_element_type3A_102 = arith.sitofp %and3A_101 : vector<16xi32> to vector<16xf32>
      %mul3A_103 = arith.constant 2.000000e+00 : f32
      %mul3A_104 = vector.broadcast %mul3A_103 : f32 to vector<16xf32>
      %mul3A_105 = arith.mulf %convert_element_type3A_102, %mul3A_104 : vector<16xf32>
      %sub3A_106 = vector.broadcast %scan3A : f32 to vector<16xf32>
      %sub3A_107 = arith.subf %mul3A_105, %sub3A_106 : vector<16xf32>
      %shift_right_arithmetic3A_108 = arith.constant 2 : i32
      %shift_right_arithmetic3A_109 = vector.broadcast %shift_right_arithmetic3A_108 : i32 to vector<16xi32>
      %shift_right_arithmetic3A_110 = arith.shrsi %gather3A_91, %shift_right_arithmetic3A_109 : vector<16xi32>
      %and3A_111 = arith.constant 255 : i32
      %and3A_112 = vector.broadcast %and3A_111 : i32 to vector<16xi32>
      %and3A_113 = arith.andi %shift_right_arithmetic3A_110, %and3A_112 : vector<16xi32>
      %gather3A_114 = tpu.vector_load_idx %arg7[%add3A_29, %and3A_113] : memref<128x256xi32, #tpu.memory_space<vmem>>[vector<16xi32>, vector<16xi32>], vector<16xi32>,
      %shift_right_arithmetic3A_115 = arith.constant 8 : i32
      %shift_right_arithmetic3A_116 = vector.broadcast %shift_right_arithmetic3A_115 : i32 to vector<16xi32>
      %shift_right_arithmetic3A_117 = arith.shrsi %shift_right_arithmetic3A_110, %shift_right_arithmetic3A_116 : vector<16xi32>
      %sub3A_118 = arith.constant 1 : i32
      %sub3A_119 = vector.broadcast %sub3A_118 : i32 to vector<16xi32>
      %sub3A_120 = arith.subi %sub3A_119, %shift_right_arithmetic3A_117 : vector<16xi32>
      %mul3A_121 = arith.constant 16 : i32
      %mul3A_122 = vector.broadcast %mul3A_121 : i32 to vector<16xi32>
      %mul3A_123 = arith.muli %sub3A_120, %mul3A_122 : vector<16xi32>
      %shift_left3A_124 = arith.shli %gather3A_114, %mul3A_123 : vector<16xi32>
      %and3A_125 = arith.andi %shift_left3A_124, %broadcast_in_dim3A_9 : vector<16xi32>
      %bitcast3A_126 = vector.bitcast %and3A_125 : vector<16xi32> to vector<16xf32>
      %mul3A_127 = arith.mulf %sub3A_107, %bitcast3A_126 : vector<16xf32>
      %neg3A_128 = arith.constant 0.000000e+00 : f32
      %neg3A_129 = vector.broadcast %neg3A_128 : f32 to vector<16xf32>
      %neg3A_130 = arith.subf %neg3A_129, %mul3A_127 : vector<16xf32>
      %exp3A_131 = math.exp %neg3A_130 : vector<16xf32>
      %add3A_132 = vector.broadcast %scan3A : f32 to vector<16xf32>
      %add3A_133 = arith.addf %add3A_132, %exp3A_131 : vector<16xf32>
      %div3A_134 = vector.broadcast %scan3A : f32 to vector<16xf32>
      %div3A_135 = arith.divf %div3A_134, %add3A_133 : vector<16xf32>
      %add3A_136 = arith.addf %div3A_135, %div3A_135 : vector<16xf32>
      %sub3A_137 = vector.broadcast %scan3A : f32 to vector<16xf32>
      %sub3A_138 = arith.subf %add3A_136, %sub3A_137 : vector<16xf32>
      %mul3A_139 = arith.mulf %sub3A_138, %sub3A_138 : vector<16xf32>
      %mul3A_140 = vector.broadcast %scan3A_12 : f32 to vector<16xf32>
      %mul3A_141 = arith.mulf %mul3A_140, %mul3A_139 : vector<16xf32>
      %add3A_142 = vector.broadcast %scan3A_13 : f32 to vector<16xf32>
      %add3A_143 = arith.addf %mul3A_141, %add3A_142 : vector<16xf32>
      %mul3A_144 = arith.mulf %add3A_143, %mul3A_139 : vector<16xf32>
      %add3A_145 = vector.broadcast %scan3A_14 : f32 to vector<16xf32>
      %add3A_146 = arith.addf %mul3A_144, %add3A_145 : vector<16xf32>
      %mul3A_147 = arith.mulf %add3A_146, %mul3A_139 : vector<16xf32>
      %add3A_148 = vector.broadcast %scan3A_15 : f32 to vector<16xf32>
      %add3A_149 = arith.addf %mul3A_147, %add3A_148 : vector<16xf32>
      %add3A_150 = vector.broadcast %scan3A_16 : f32 to vector<16xf32>
      %add3A_151 = arith.addf %add3A_150, %add3A_149 : vector<16xf32>
      %sub3A_152 = arith.subf %div3A_135, %add3A_151 : vector<16xf32>
      %mul3A_153 = arith.mulf %convert_element_type3A_95, %sub3A_152 : vector<16xf32>
      %sub3A_154 = arith.subf %sub3A_88, %mul3A_153 : vector<16xf32>
      %broadcast_in_dim3A_155 = arith.constant 2 : i32
      %broadcast_in_dim3A_156 = vector.broadcast %broadcast_in_dim3A_155 : i32 to vector<16xi32>
      %gather3A_157 = tpu.vector_load_idx %arg8[%get3A_32, %broadcast_in_dim3A_156] : memref<512x17xi32, #tpu.memory_space<vmem>>[vector<16xi32>, vector<16xi32>], vector<16xi32>,
      %and3A_158 = arith.constant 1 : i32
      %and3A_159 = vector.broadcast %and3A_158 : i32 to vector<16xi32>
      %and3A_160 = arith.andi %gather3A_157, %and3A_159 : vector<16xi32>
      %convert_element_type3A_161 = arith.sitofp %and3A_160 : vector<16xi32> to vector<16xf32>
      %shift_right_arithmetic3A_162 = arith.constant 1 : i32
      %shift_right_arithmetic3A_163 = vector.broadcast %shift_right_arithmetic3A_162 : i32 to vector<16xi32>
      %shift_right_arithmetic3A_164 = arith.shrsi %gather3A_157, %shift_right_arithmetic3A_163 : vector<16xi32>
      %and3A_165 = arith.constant 1 : i32
      %and3A_166 = vector.broadcast %and3A_165 : i32 to vector<16xi32>
      %and3A_167 = arith.andi %shift_right_arithmetic3A_164, %and3A_166 : vector<16xi32>
      %convert_element_type3A_168 = arith.sitofp %and3A_167 : vector<16xi32> to vector<16xf32>
      %mul3A_169 = arith.constant 2.000000e+00 : f32
      %mul3A_170 = vector.broadcast %mul3A_169 : f32 to vector<16xf32>
      %mul3A_171 = arith.mulf %convert_element_type3A_168, %mul3A_170 : vector<16xf32>
      %sub3A_172 = vector.broadcast %scan3A : f32 to vector<16xf32>
      %sub3A_173 = arith.subf %mul3A_171, %sub3A_172 : vector<16xf32>
      %shift_right_arithmetic3A_174 = arith.constant 2 : i32
      %shift_right_arithmetic3A_175 = vector.broadcast %shift_right_arithmetic3A_174 : i32 to vector<16xi32>
      %shift_right_arithmetic3A_176 = arith.shrsi %gather3A_157, %shift_right_arithmetic3A_175 : vector<16xi32>
      %and3A_177 = arith.constant 255 : i32
      %and3A_178 = vector.broadcast %and3A_177 : i32 to vector<16xi32>
      %and3A_179 = arith.andi %shift_right_arithmetic3A_176, %and3A_178 : vector<16xi32>
      %gather3A_180 = tpu.vector_load_idx %arg7[%add3A_29, %and3A_179] : memref<128x256xi32, #tpu.memory_space<vmem>>[vector<16xi32>, vector<16xi32>], vector<16xi32>,
      %shift_right_arithmetic3A_181 = arith.constant 8 : i32
      %shift_right_arithmetic3A_182 = vector.broadcast %shift_right_arithmetic3A_181 : i32 to vector<16xi32>
      %shift_right_arithmetic3A_183 = arith.shrsi %shift_right_arithmetic3A_176, %shift_right_arithmetic3A_182 : vector<16xi32>
      %sub3A_184 = arith.constant 1 : i32
      %sub3A_185 = vector.broadcast %sub3A_184 : i32 to vector<16xi32>
      %sub3A_186 = arith.subi %sub3A_185, %shift_right_arithmetic3A_183 : vector<16xi32>
      %mul3A_187 = arith.constant 16 : i32
      %mul3A_188 = vector.broadcast %mul3A_187 : i32 to vector<16xi32>
      %mul3A_189 = arith.muli %sub3A_186, %mul3A_188 : vector<16xi32>
      %shift_left3A_190 = arith.shli %gather3A_180, %mul3A_189 : vector<16xi32>
      %and3A_191 = arith.andi %shift_left3A_190, %broadcast_in_dim3A_9 : vector<16xi32>
      %bitcast3A_192 = vector.bitcast %and3A_191 : vector<16xi32> to vector<16xf32>
      %mul3A_193 = arith.mulf %sub3A_173, %bitcast3A_192 : vector<16xf32>
      %neg3A_194 = arith.constant 0.000000e+00 : f32
      %neg3A_195 = vector.broadcast %neg3A_194 : f32 to vector<16xf32>
      %neg3A_196 = arith.subf %neg3A_195, %mul3A_193 : vector<16xf32>
      %exp3A_197 = math.exp %neg3A_196 : vector<16xf32>
      %add3A_198 = vector.broadcast %scan3A : f32 to vector<16xf32>
      %add3A_199 = arith.addf %add3A_198, %exp3A_197 : vector<16xf32>
      %div3A_200 = vector.broadcast %scan3A : f32 to vector<16xf32>
      %div3A_201 = arith.divf %div3A_200, %add3A_199 : vector<16xf32>
      %add3A_202 = arith.addf %div3A_201, %div3A_201 : vector<16xf32>
      %sub3A_203 = vector.broadcast %scan3A : f32 to vector<16xf32>
      %sub3A_204 = arith.subf %add3A_202, %sub3A_203 : vector<16xf32>
      %mul3A_205 = arith.mulf %sub3A_204, %sub3A_204 : vector<16xf32>
      %mul3A_206 = vector.broadcast %scan3A_12 : f32 to vector<16xf32>
      %mul3A_207 = arith.mulf %mul3A_206, %mul3A_205 : vector<16xf32>
      %add3A_208 = vector.broadcast %scan3A_13 : f32 to vector<16xf32>
      %add3A_209 = arith.addf %mul3A_207, %add3A_208 : vector<16xf32>
      %mul3A_210 = arith.mulf %add3A_209, %mul3A_205 : vector<16xf32>
      %add3A_211 = vector.broadcast %scan3A_14 : f32 to vector<16xf32>
      %add3A_212 = arith.addf %mul3A_210, %add3A_211 : vector<16xf32>
      %mul3A_213 = arith.mulf %add3A_212, %mul3A_205 : vector<16xf32>
      %add3A_214 = vector.broadcast %scan3A_15 : f32 to vector<16xf32>
      %add3A_215 = arith.addf %mul3A_213, %add3A_214 : vector<16xf32>
      %add3A_216 = vector.broadcast %scan3A_16 : f32 to vector<16xf32>
      %add3A_217 = arith.addf %add3A_216, %add3A_215 : vector<16xf32>
      %sub3A_218 = arith.subf %div3A_201, %add3A_217 : vector<16xf32>
      %mul3A_219 = arith.mulf %convert_element_type3A_161, %sub3A_218 : vector<16xf32>
      %sub3A_220 = arith.subf %sub3A_154, %mul3A_219 : vector<16xf32>
      %broadcast_in_dim3A_221 = arith.constant 3 : i32
      %broadcast_in_dim3A_222 = vector.broadcast %broadcast_in_dim3A_221 : i32 to vector<16xi32>
      %gather3A_223 = tpu.vector_load_idx %arg8[%get3A_32, %broadcast_in_dim3A_222] : memref<512x17xi32, #tpu.memory_space<vmem>>[vector<16xi32>, vector<16xi32>], vector<16xi32>,
      %and3A_224 = arith.constant 1 : i32
      %and3A_225 = vector.broadcast %and3A_224 : i32 to vector<16xi32>
      %and3A_226 = arith.andi %gather3A_223, %and3A_225 : vector<16xi32>
      %convert_element_type3A_227 = arith.sitofp %and3A_226 : vector<16xi32> to vector<16xf32>
      %shift_right_arithmetic3A_228 = arith.constant 1 : i32
      %shift_right_arithmetic3A_229 = vector.broadcast %shift_right_arithmetic3A_228 : i32 to vector<16xi32>
      %shift_right_arithmetic3A_230 = arith.shrsi %gather3A_223, %shift_right_arithmetic3A_229 : vector<16xi32>
      %and3A_231 = arith.constant 1 : i32
      %and3A_232 = vector.broadcast %and3A_231 : i32 to vector<16xi32>
      %and3A_233 = arith.andi %shift_right_arithmetic3A_230, %and3A_232 : vector<16xi32>
      %convert_element_type3A_234 = arith.sitofp %and3A_233 : vector<16xi32> to vector<16xf32>
      %mul3A_235 = arith.constant 2.000000e+00 : f32
      %mul3A_236 = vector.broadcast %mul3A_235 : f32 to vector<16xf32>
      %mul3A_237 = arith.mulf %convert_element_type3A_234, %mul3A_236 : vector<16xf32>
      %sub3A_238 = vector.broadcast %scan3A : f32 to vector<16xf32>
      %sub3A_239 = arith.subf %mul3A_237, %sub3A_238 : vector<16xf32>
      %shift_right_arithmetic3A_240 = arith.constant 2 : i32
      %shift_right_arithmetic3A_241 = vector.broadcast %shift_right_arithmetic3A_240 : i32 to vector<16xi32>
      %shift_right_arithmetic3A_242 = arith.shrsi %gather3A_223, %shift_right_arithmetic3A_241 : vector<16xi32>
      %and3A_243 = arith.constant 255 : i32
      %and3A_244 = vector.broadcast %and3A_243 : i32 to vector<16xi32>
      %and3A_245 = arith.andi %shift_right_arithmetic3A_242, %and3A_244 : vector<16xi32>
      %gather3A_246 = tpu.vector_load_idx %arg7[%add3A_29, %and3A_245] : memref<128x256xi32, #tpu.memory_space<vmem>>[vector<16xi32>, vector<16xi32>], vector<16xi32>,
      %shift_right_arithmetic3A_247 = arith.constant 8 : i32
      %shift_right_arithmetic3A_248 = vector.broadcast %shift_right_arithmetic3A_247 : i32 to vector<16xi32>
      %shift_right_arithmetic3A_249 = arith.shrsi %shift_right_arithmetic3A_242, %shift_right_arithmetic3A_248 : vector<16xi32>
      %sub3A_250 = arith.constant 1 : i32
      %sub3A_251 = vector.broadcast %sub3A_250 : i32 to vector<16xi32>
      %sub3A_252 = arith.subi %sub3A_251, %shift_right_arithmetic3A_249 : vector<16xi32>
      %mul3A_253 = arith.constant 16 : i32
      %mul3A_254 = vector.broadcast %mul3A_253 : i32 to vector<16xi32>
      %mul3A_255 = arith.muli %sub3A_252, %mul3A_254 : vector<16xi32>
      %shift_left3A_256 = arith.shli %gather3A_246, %mul3A_255 : vector<16xi32>
      %and3A_257 = arith.andi %shift_left3A_256, %broadcast_in_dim3A_9 : vector<16xi32>
      %bitcast3A_258 = vector.bitcast %and3A_257 : vector<16xi32> to vector<16xf32>
      %mul3A_259 = arith.mulf %sub3A_239, %bitcast3A_258 : vector<16xf32>
      %neg3A_260 = arith.constant 0.000000e+00 : f32
      %neg3A_261 = vector.broadcast %neg3A_260 : f32 to vector<16xf32>
      %neg3A_262 = arith.subf %neg3A_261, %mul3A_259 : vector<16xf32>
      %exp3A_263 = math.exp %neg3A_262 : vector<16xf32>
      %add3A_264 = vector.broadcast %scan3A : f32 to vector<16xf32>
      %add3A_265 = arith.addf %add3A_264, %exp3A_263 : vector<16xf32>
      %div3A_266 = vector.broadcast %scan3A : f32 to vector<16xf32>
      %div3A_267 = arith.divf %div3A_266, %add3A_265 : vector<16xf32>
      %add3A_268 = arith.addf %div3A_267, %div3A_267 : vector<16xf32>
      %sub3A_269 = vector.broadcast %scan3A : f32 to vector<16xf32>
      %sub3A_270 = arith.subf %add3A_268, %sub3A_269 : vector<16xf32>
      %mul3A_271 = arith.mulf %sub3A_270, %sub3A_270 : vector<16xf32>
      %mul3A_272 = vector.broadcast %scan3A_12 : f32 to vector<16xf32>
      %mul3A_273 = arith.mulf %mul3A_272, %mul3A_271 : vector<16xf32>
      %add3A_274 = vector.broadcast %scan3A_13 : f32 to vector<16xf32>
      %add3A_275 = arith.addf %mul3A_273, %add3A_274 : vector<16xf32>
      %mul3A_276 = arith.mulf %add3A_275, %mul3A_271 : vector<16xf32>
      %add3A_277 = vector.broadcast %scan3A_14 : f32 to vector<16xf32>
      %add3A_278 = arith.addf %mul3A_276, %add3A_277 : vector<16xf32>
      %mul3A_279 = arith.mulf %add3A_278, %mul3A_271 : vector<16xf32>
      %add3A_280 = vector.broadcast %scan3A_15 : f32 to vector<16xf32>
      %add3A_281 = arith.addf %mul3A_279, %add3A_280 : vector<16xf32>
      %add3A_282 = vector.broadcast %scan3A_16 : f32 to vector<16xf32>
      %add3A_283 = arith.addf %add3A_282, %add3A_281 : vector<16xf32>
      %sub3A_284 = arith.subf %div3A_267, %add3A_283 : vector<16xf32>
      %mul3A_285 = arith.mulf %convert_element_type3A_227, %sub3A_284 : vector<16xf32>
      %sub3A_286 = arith.subf %sub3A_220, %mul3A_285 : vector<16xf32>
      %broadcast_in_dim3A_287 = arith.constant 4 : i32
      %broadcast_in_dim3A_288 = vector.broadcast %broadcast_in_dim3A_287 : i32 to vector<16xi32>
      %gather3A_289 = tpu.vector_load_idx %arg8[%get3A_32, %broadcast_in_dim3A_288] : memref<512x17xi32, #tpu.memory_space<vmem>>[vector<16xi32>, vector<16xi32>], vector<16xi32>,
      %and3A_290 = arith.constant 1 : i32
      %and3A_291 = vector.broadcast %and3A_290 : i32 to vector<16xi32>
      %and3A_292 = arith.andi %gather3A_289, %and3A_291 : vector<16xi32>
      %convert_element_type3A_293 = arith.sitofp %and3A_292 : vector<16xi32> to vector<16xf32>
      %shift_right_arithmetic3A_294 = arith.constant 1 : i32
      %shift_right_arithmetic3A_295 = vector.broadcast %shift_right_arithmetic3A_294 : i32 to vector<16xi32>
      %shift_right_arithmetic3A_296 = arith.shrsi %gather3A_289, %shift_right_arithmetic3A_295 : vector<16xi32>
      %and3A_297 = arith.constant 1 : i32
      %and3A_298 = vector.broadcast %and3A_297 : i32 to vector<16xi32>
      %and3A_299 = arith.andi %shift_right_arithmetic3A_296, %and3A_298 : vector<16xi32>
      %convert_element_type3A_300 = arith.sitofp %and3A_299 : vector<16xi32> to vector<16xf32>
      %mul3A_301 = arith.constant 2.000000e+00 : f32
      %mul3A_302 = vector.broadcast %mul3A_301 : f32 to vector<16xf32>
      %mul3A_303 = arith.mulf %convert_element_type3A_300, %mul3A_302 : vector<16xf32>
      %sub3A_304 = vector.broadcast %scan3A : f32 to vector<16xf32>
      %sub3A_305 = arith.subf %mul3A_303, %sub3A_304 : vector<16xf32>
      %shift_right_arithmetic3A_306 = arith.constant 2 : i32
      %shift_right_arithmetic3A_307 = vector.broadcast %shift_right_arithmetic3A_306 : i32 to vector<16xi32>
      %shift_right_arithmetic3A_308 = arith.shrsi %gather3A_289, %shift_right_arithmetic3A_307 : vector<16xi32>
      %and3A_309 = arith.constant 255 : i32
      %and3A_310 = vector.broadcast %and3A_309 : i32 to vector<16xi32>
      %and3A_311 = arith.andi %shift_right_arithmetic3A_308, %and3A_310 : vector<16xi32>
      %gather3A_312 = tpu.vector_load_idx %arg7[%add3A_29, %and3A_311] : memref<128x256xi32, #tpu.memory_space<vmem>>[vector<16xi32>, vector<16xi32>], vector<16xi32>,
      %shift_right_arithmetic3A_313 = arith.constant 8 : i32
      %shift_right_arithmetic3A_314 = vector.broadcast %shift_right_arithmetic3A_313 : i32 to vector<16xi32>
      %shift_right_arithmetic3A_315 = arith.shrsi %shift_right_arithmetic3A_308, %shift_right_arithmetic3A_314 : vector<16xi32>
      %sub3A_316 = arith.constant 1 : i32
      %sub3A_317 = vector.broadcast %sub3A_316 : i32 to vector<16xi32>
      %sub3A_318 = arith.subi %sub3A_317, %shift_right_arithmetic3A_315 : vector<16xi32>
      %mul3A_319 = arith.constant 16 : i32
      %mul3A_320 = vector.broadcast %mul3A_319 : i32 to vector<16xi32>
      %mul3A_321 = arith.muli %sub3A_318, %mul3A_320 : vector<16xi32>
      %shift_left3A_322 = arith.shli %gather3A_312, %mul3A_321 : vector<16xi32>
      %and3A_323 = arith.andi %shift_left3A_322, %broadcast_in_dim3A_9 : vector<16xi32>
      %bitcast3A_324 = vector.bitcast %and3A_323 : vector<16xi32> to vector<16xf32>
      %mul3A_325 = arith.mulf %sub3A_305, %bitcast3A_324 : vector<16xf32>
      %neg3A_326 = arith.constant 0.000000e+00 : f32
      %neg3A_327 = vector.broadcast %neg3A_326 : f32 to vector<16xf32>
      %neg3A_328 = arith.subf %neg3A_327, %mul3A_325 : vector<16xf32>
      %exp3A_329 = math.exp %neg3A_328 : vector<16xf32>
      %add3A_330 = vector.broadcast %scan3A : f32 to vector<16xf32>
      %add3A_331 = arith.addf %add3A_330, %exp3A_329 : vector<16xf32>
      %div3A_332 = vector.broadcast %scan3A : f32 to vector<16xf32>
      %div3A_333 = arith.divf %div3A_332, %add3A_331 : vector<16xf32>
      %add3A_334 = arith.addf %div3A_333, %div3A_333 : vector<16xf32>
      %sub3A_335 = vector.broadcast %scan3A : f32 to vector<16xf32>
      %sub3A_336 = arith.subf %add3A_334, %sub3A_335 : vector<16xf32>
      %mul3A_337 = arith.mulf %sub3A_336, %sub3A_336 : vector<16xf32>
      %mul3A_338 = vector.broadcast %scan3A_12 : f32 to vector<16xf32>
      %mul3A_339 = arith.mulf %mul3A_338, %mul3A_337 : vector<16xf32>
      %add3A_340 = vector.broadcast %scan3A_13 : f32 to vector<16xf32>
      %add3A_341 = arith.addf %mul3A_339, %add3A_340 : vector<16xf32>
      %mul3A_342 = arith.mulf %add3A_341, %mul3A_337 : vector<16xf32>
      %add3A_343 = vector.broadcast %scan3A_14 : f32 to vector<16xf32>
      %add3A_344 = arith.addf %mul3A_342, %add3A_343 : vector<16xf32>
      %mul3A_345 = arith.mulf %add3A_344, %mul3A_337 : vector<16xf32>
      %add3A_346 = vector.broadcast %scan3A_15 : f32 to vector<16xf32>
      %add3A_347 = arith.addf %mul3A_345, %add3A_346 : vector<16xf32>
      %add3A_348 = vector.broadcast %scan3A_16 : f32 to vector<16xf32>
      %add3A_349 = arith.addf %add3A_348, %add3A_347 : vector<16xf32>
      %sub3A_350 = arith.subf %div3A_333, %add3A_349 : vector<16xf32>
      %mul3A_351 = arith.mulf %convert_element_type3A_293, %sub3A_350 : vector<16xf32>
      %sub3A_352 = arith.subf %sub3A_286, %mul3A_351 : vector<16xf32>
      %broadcast_in_dim3A_353 = arith.constant 5 : i32
      %broadcast_in_dim3A_354 = vector.broadcast %broadcast_in_dim3A_353 : i32 to vector<16xi32>
      %gather3A_355 = tpu.vector_load_idx %arg8[%get3A_32, %broadcast_in_dim3A_354] : memref<512x17xi32, #tpu.memory_space<vmem>>[vector<16xi32>, vector<16xi32>], vector<16xi32>,
      %and3A_356 = arith.constant 1 : i32
      %and3A_357 = vector.broadcast %and3A_356 : i32 to vector<16xi32>
      %and3A_358 = arith.andi %gather3A_355, %and3A_357 : vector<16xi32>
      %convert_element_type3A_359 = arith.sitofp %and3A_358 : vector<16xi32> to vector<16xf32>
      %shift_right_arithmetic3A_360 = arith.constant 1 : i32
      %shift_right_arithmetic3A_361 = vector.broadcast %shift_right_arithmetic3A_360 : i32 to vector<16xi32>
      %shift_right_arithmetic3A_362 = arith.shrsi %gather3A_355, %shift_right_arithmetic3A_361 : vector<16xi32>
      %and3A_363 = arith.constant 1 : i32
      %and3A_364 = vector.broadcast %and3A_363 : i32 to vector<16xi32>
      %and3A_365 = arith.andi %shift_right_arithmetic3A_362, %and3A_364 : vector<16xi32>
      %convert_element_type3A_366 = arith.sitofp %and3A_365 : vector<16xi32> to vector<16xf32>
      %mul3A_367 = arith.constant 2.000000e+00 : f32
      %mul3A_368 = vector.broadcast %mul3A_367 : f32 to vector<16xf32>
      %mul3A_369 = arith.mulf %convert_element_type3A_366, %mul3A_368 : vector<16xf32>
      %sub3A_370 = vector.broadcast %scan3A : f32 to vector<16xf32>
      %sub3A_371 = arith.subf %mul3A_369, %sub3A_370 : vector<16xf32>
      %shift_right_arithmetic3A_372 = arith.constant 2 : i32
      %shift_right_arithmetic3A_373 = vector.broadcast %shift_right_arithmetic3A_372 : i32 to vector<16xi32>
      %shift_right_arithmetic3A_374 = arith.shrsi %gather3A_355, %shift_right_arithmetic3A_373 : vector<16xi32>
      %and3A_375 = arith.constant 255 : i32
      %and3A_376 = vector.broadcast %and3A_375 : i32 to vector<16xi32>
      %and3A_377 = arith.andi %shift_right_arithmetic3A_374, %and3A_376 : vector<16xi32>
      %gather3A_378 = tpu.vector_load_idx %arg7[%add3A_29, %and3A_377] : memref<128x256xi32, #tpu.memory_space<vmem>>[vector<16xi32>, vector<16xi32>], vector<16xi32>,
      %shift_right_arithmetic3A_379 = arith.constant 8 : i32
      %shift_right_arithmetic3A_380 = vector.broadcast %shift_right_arithmetic3A_379 : i32 to vector<16xi32>
      %shift_right_arithmetic3A_381 = arith.shrsi %shift_right_arithmetic3A_374, %shift_right_arithmetic3A_380 : vector<16xi32>
      %sub3A_382 = arith.constant 1 : i32
      %sub3A_383 = vector.broadcast %sub3A_382 : i32 to vector<16xi32>
      %sub3A_384 = arith.subi %sub3A_383, %shift_right_arithmetic3A_381 : vector<16xi32>
      %mul3A_385 = arith.constant 16 : i32
      %mul3A_386 = vector.broadcast %mul3A_385 : i32 to vector<16xi32>
      %mul3A_387 = arith.muli %sub3A_384, %mul3A_386 : vector<16xi32>
      %shift_left3A_388 = arith.shli %gather3A_378, %mul3A_387 : vector<16xi32>
      %and3A_389 = arith.andi %shift_left3A_388, %broadcast_in_dim3A_9 : vector<16xi32>
      %bitcast3A_390 = vector.bitcast %and3A_389 : vector<16xi32> to vector<16xf32>
      %mul3A_391 = arith.mulf %sub3A_371, %bitcast3A_390 : vector<16xf32>
      %neg3A_392 = arith.constant 0.000000e+00 : f32
      %neg3A_393 = vector.broadcast %neg3A_392 : f32 to vector<16xf32>
      %neg3A_394 = arith.subf %neg3A_393, %mul3A_391 : vector<16xf32>
      %exp3A_395 = math.exp %neg3A_394 : vector<16xf32>
      %add3A_396 = vector.broadcast %scan3A : f32 to vector<16xf32>
      %add3A_397 = arith.addf %add3A_396, %exp3A_395 : vector<16xf32>
      %div3A_398 = vector.broadcast %scan3A : f32 to vector<16xf32>
      %div3A_399 = arith.divf %div3A_398, %add3A_397 : vector<16xf32>
      %add3A_400 = arith.addf %div3A_399, %div3A_399 : vector<16xf32>
      %sub3A_401 = vector.broadcast %scan3A : f32 to vector<16xf32>
      %sub3A_402 = arith.subf %add3A_400, %sub3A_401 : vector<16xf32>
      %mul3A_403 = arith.mulf %sub3A_402, %sub3A_402 : vector<16xf32>
      %mul3A_404 = vector.broadcast %scan3A_12 : f32 to vector<16xf32>
      %mul3A_405 = arith.mulf %mul3A_404, %mul3A_403 : vector<16xf32>
      %add3A_406 = vector.broadcast %scan3A_13 : f32 to vector<16xf32>
      %add3A_407 = arith.addf %mul3A_405, %add3A_406 : vector<16xf32>
      %mul3A_408 = arith.mulf %add3A_407, %mul3A_403 : vector<16xf32>
      %add3A_409 = vector.broadcast %scan3A_14 : f32 to vector<16xf32>
      %add3A_410 = arith.addf %mul3A_408, %add3A_409 : vector<16xf32>
      %mul3A_411 = arith.mulf %add3A_410, %mul3A_403 : vector<16xf32>
      %add3A_412 = vector.broadcast %scan3A_15 : f32 to vector<16xf32>
      %add3A_413 = arith.addf %mul3A_411, %add3A_412 : vector<16xf32>
      %add3A_414 = vector.broadcast %scan3A_16 : f32 to vector<16xf32>
      %add3A_415 = arith.addf %add3A_414, %add3A_413 : vector<16xf32>
      %sub3A_416 = arith.subf %div3A_399, %add3A_415 : vector<16xf32>
      %mul3A_417 = arith.mulf %convert_element_type3A_359, %sub3A_416 : vector<16xf32>
      %sub3A_418 = arith.subf %sub3A_352, %mul3A_417 : vector<16xf32>
      %broadcast_in_dim3A_419 = arith.constant 6 : i32
      %broadcast_in_dim3A_420 = vector.broadcast %broadcast_in_dim3A_419 : i32 to vector<16xi32>
      %gather3A_421 = tpu.vector_load_idx %arg8[%get3A_32, %broadcast_in_dim3A_420] : memref<512x17xi32, #tpu.memory_space<vmem>>[vector<16xi32>, vector<16xi32>], vector<16xi32>,
      %and3A_422 = arith.constant 1 : i32
      %and3A_423 = vector.broadcast %and3A_422 : i32 to vector<16xi32>
      %and3A_424 = arith.andi %gather3A_421, %and3A_423 : vector<16xi32>
      %convert_element_type3A_425 = arith.sitofp %and3A_424 : vector<16xi32> to vector<16xf32>
      %shift_right_arithmetic3A_426 = arith.constant 1 : i32
      %shift_right_arithmetic3A_427 = vector.broadcast %shift_right_arithmetic3A_426 : i32 to vector<16xi32>
      %shift_right_arithmetic3A_428 = arith.shrsi %gather3A_421, %shift_right_arithmetic3A_427 : vector<16xi32>
      %and3A_429 = arith.constant 1 : i32
      %and3A_430 = vector.broadcast %and3A_429 : i32 to vector<16xi32>
      %and3A_431 = arith.andi %shift_right_arithmetic3A_428, %and3A_430 : vector<16xi32>
      %convert_element_type3A_432 = arith.sitofp %and3A_431 : vector<16xi32> to vector<16xf32>
      %mul3A_433 = arith.constant 2.000000e+00 : f32
      %mul3A_434 = vector.broadcast %mul3A_433 : f32 to vector<16xf32>
      %mul3A_435 = arith.mulf %convert_element_type3A_432, %mul3A_434 : vector<16xf32>
      %sub3A_436 = vector.broadcast %scan3A : f32 to vector<16xf32>
      %sub3A_437 = arith.subf %mul3A_435, %sub3A_436 : vector<16xf32>
      %shift_right_arithmetic3A_438 = arith.constant 2 : i32
      %shift_right_arithmetic3A_439 = vector.broadcast %shift_right_arithmetic3A_438 : i32 to vector<16xi32>
      %shift_right_arithmetic3A_440 = arith.shrsi %gather3A_421, %shift_right_arithmetic3A_439 : vector<16xi32>
      %and3A_441 = arith.constant 255 : i32
      %and3A_442 = vector.broadcast %and3A_441 : i32 to vector<16xi32>
      %and3A_443 = arith.andi %shift_right_arithmetic3A_440, %and3A_442 : vector<16xi32>
      %gather3A_444 = tpu.vector_load_idx %arg7[%add3A_29, %and3A_443] : memref<128x256xi32, #tpu.memory_space<vmem>>[vector<16xi32>, vector<16xi32>], vector<16xi32>,
      %shift_right_arithmetic3A_445 = arith.constant 8 : i32
      %shift_right_arithmetic3A_446 = vector.broadcast %shift_right_arithmetic3A_445 : i32 to vector<16xi32>
      %shift_right_arithmetic3A_447 = arith.shrsi %shift_right_arithmetic3A_440, %shift_right_arithmetic3A_446 : vector<16xi32>
      %sub3A_448 = arith.constant 1 : i32
      %sub3A_449 = vector.broadcast %sub3A_448 : i32 to vector<16xi32>
      %sub3A_450 = arith.subi %sub3A_449, %shift_right_arithmetic3A_447 : vector<16xi32>
      %mul3A_451 = arith.constant 16 : i32
      %mul3A_452 = vector.broadcast %mul3A_451 : i32 to vector<16xi32>
      %mul3A_453 = arith.muli %sub3A_450, %mul3A_452 : vector<16xi32>
      %shift_left3A_454 = arith.shli %gather3A_444, %mul3A_453 : vector<16xi32>
      %and3A_455 = arith.andi %shift_left3A_454, %broadcast_in_dim3A_9 : vector<16xi32>
      %bitcast3A_456 = vector.bitcast %and3A_455 : vector<16xi32> to vector<16xf32>
      %mul3A_457 = arith.mulf %sub3A_437, %bitcast3A_456 : vector<16xf32>
      %neg3A_458 = arith.constant 0.000000e+00 : f32
      %neg3A_459 = vector.broadcast %neg3A_458 : f32 to vector<16xf32>
      %neg3A_460 = arith.subf %neg3A_459, %mul3A_457 : vector<16xf32>
      %exp3A_461 = math.exp %neg3A_460 : vector<16xf32>
      %add3A_462 = vector.broadcast %scan3A : f32 to vector<16xf32>
      %add3A_463 = arith.addf %add3A_462, %exp3A_461 : vector<16xf32>
      %div3A_464 = vector.broadcast %scan3A : f32 to vector<16xf32>
      %div3A_465 = arith.divf %div3A_464, %add3A_463 : vector<16xf32>
      %add3A_466 = arith.addf %div3A_465, %div3A_465 : vector<16xf32>
      %sub3A_467 = vector.broadcast %scan3A : f32 to vector<16xf32>
      %sub3A_468 = arith.subf %add3A_466, %sub3A_467 : vector<16xf32>
      %mul3A_469 = arith.mulf %sub3A_468, %sub3A_468 : vector<16xf32>
      %mul3A_470 = vector.broadcast %scan3A_12 : f32 to vector<16xf32>
      %mul3A_471 = arith.mulf %mul3A_470, %mul3A_469 : vector<16xf32>
      %add3A_472 = vector.broadcast %scan3A_13 : f32 to vector<16xf32>
      %add3A_473 = arith.addf %mul3A_471, %add3A_472 : vector<16xf32>
      %mul3A_474 = arith.mulf %add3A_473, %mul3A_469 : vector<16xf32>
      %add3A_475 = vector.broadcast %scan3A_14 : f32 to vector<16xf32>
      %add3A_476 = arith.addf %mul3A_474, %add3A_475 : vector<16xf32>
      %mul3A_477 = arith.mulf %add3A_476, %mul3A_469 : vector<16xf32>
      %add3A_478 = vector.broadcast %scan3A_15 : f32 to vector<16xf32>
      %add3A_479 = arith.addf %mul3A_477, %add3A_478 : vector<16xf32>
      %add3A_480 = vector.broadcast %scan3A_16 : f32 to vector<16xf32>
      %add3A_481 = arith.addf %add3A_480, %add3A_479 : vector<16xf32>
      %sub3A_482 = arith.subf %div3A_465, %add3A_481 : vector<16xf32>
      %mul3A_483 = arith.mulf %convert_element_type3A_425, %sub3A_482 : vector<16xf32>
      %sub3A_484 = arith.subf %sub3A_418, %mul3A_483 : vector<16xf32>
      %broadcast_in_dim3A_485 = arith.constant 7 : i32
      %broadcast_in_dim3A_486 = vector.broadcast %broadcast_in_dim3A_485 : i32 to vector<16xi32>
      %gather3A_487 = tpu.vector_load_idx %arg8[%get3A_32, %broadcast_in_dim3A_486] : memref<512x17xi32, #tpu.memory_space<vmem>>[vector<16xi32>, vector<16xi32>], vector<16xi32>,
      %and3A_488 = arith.constant 1 : i32
      %and3A_489 = vector.broadcast %and3A_488 : i32 to vector<16xi32>
      %and3A_490 = arith.andi %gather3A_487, %and3A_489 : vector<16xi32>
      %convert_element_type3A_491 = arith.sitofp %and3A_490 : vector<16xi32> to vector<16xf32>
      %shift_right_arithmetic3A_492 = arith.constant 1 : i32
      %shift_right_arithmetic3A_493 = vector.broadcast %shift_right_arithmetic3A_492 : i32 to vector<16xi32>
      %shift_right_arithmetic3A_494 = arith.shrsi %gather3A_487, %shift_right_arithmetic3A_493 : vector<16xi32>
      %and3A_495 = arith.constant 1 : i32
      %and3A_496 = vector.broadcast %and3A_495 : i32 to vector<16xi32>
      %and3A_497 = arith.andi %shift_right_arithmetic3A_494, %and3A_496 : vector<16xi32>
      %convert_element_type3A_498 = arith.sitofp %and3A_497 : vector<16xi32> to vector<16xf32>
      %mul3A_499 = arith.constant 2.000000e+00 : f32
      %mul3A_500 = vector.broadcast %mul3A_499 : f32 to vector<16xf32>
      %mul3A_501 = arith.mulf %convert_element_type3A_498, %mul3A_500 : vector<16xf32>
      %sub3A_502 = vector.broadcast %scan3A : f32 to vector<16xf32>
      %sub3A_503 = arith.subf %mul3A_501, %sub3A_502 : vector<16xf32>
      %shift_right_arithmetic3A_504 = arith.constant 2 : i32
      %shift_right_arithmetic3A_505 = vector.broadcast %shift_right_arithmetic3A_504 : i32 to vector<16xi32>
      %shift_right_arithmetic3A_506 = arith.shrsi %gather3A_487, %shift_right_arithmetic3A_505 : vector<16xi32>
      %and3A_507 = arith.constant 255 : i32
      %and3A_508 = vector.broadcast %and3A_507 : i32 to vector<16xi32>
      %and3A_509 = arith.andi %shift_right_arithmetic3A_506, %and3A_508 : vector<16xi32>
      %gather3A_510 = tpu.vector_load_idx %arg7[%add3A_29, %and3A_509] : memref<128x256xi32, #tpu.memory_space<vmem>>[vector<16xi32>, vector<16xi32>], vector<16xi32>,
      %shift_right_arithmetic3A_511 = arith.constant 8 : i32
      %shift_right_arithmetic3A_512 = vector.broadcast %shift_right_arithmetic3A_511 : i32 to vector<16xi32>
      %shift_right_arithmetic3A_513 = arith.shrsi %shift_right_arithmetic3A_506, %shift_right_arithmetic3A_512 : vector<16xi32>
      %sub3A_514 = arith.constant 1 : i32
      %sub3A_515 = vector.broadcast %sub3A_514 : i32 to vector<16xi32>
      %sub3A_516 = arith.subi %sub3A_515, %shift_right_arithmetic3A_513 : vector<16xi32>
      %mul3A_517 = arith.constant 16 : i32
      %mul3A_518 = vector.broadcast %mul3A_517 : i32 to vector<16xi32>
      %mul3A_519 = arith.muli %sub3A_516, %mul3A_518 : vector<16xi32>
      %shift_left3A_520 = arith.shli %gather3A_510, %mul3A_519 : vector<16xi32>
      %and3A_521 = arith.andi %shift_left3A_520, %broadcast_in_dim3A_9 : vector<16xi32>
      %bitcast3A_522 = vector.bitcast %and3A_521 : vector<16xi32> to vector<16xf32>
      %mul3A_523 = arith.mulf %sub3A_503, %bitcast3A_522 : vector<16xf32>
      %neg3A_524 = arith.constant 0.000000e+00 : f32
      %neg3A_525 = vector.broadcast %neg3A_524 : f32 to vector<16xf32>
      %neg3A_526 = arith.subf %neg3A_525, %mul3A_523 : vector<16xf32>
      %exp3A_527 = math.exp %neg3A_526 : vector<16xf32>
      %add3A_528 = vector.broadcast %scan3A : f32 to vector<16xf32>
      %add3A_529 = arith.addf %add3A_528, %exp3A_527 : vector<16xf32>
      %div3A_530 = vector.broadcast %scan3A : f32 to vector<16xf32>
      %div3A_531 = arith.divf %div3A_530, %add3A_529 : vector<16xf32>
      %add3A_532 = arith.addf %div3A_531, %div3A_531 : vector<16xf32>
      %sub3A_533 = vector.broadcast %scan3A : f32 to vector<16xf32>
      %sub3A_534 = arith.subf %add3A_532, %sub3A_533 : vector<16xf32>
      %mul3A_535 = arith.mulf %sub3A_534, %sub3A_534 : vector<16xf32>
      %mul3A_536 = vector.broadcast %scan3A_12 : f32 to vector<16xf32>
      %mul3A_537 = arith.mulf %mul3A_536, %mul3A_535 : vector<16xf32>
      %add3A_538 = vector.broadcast %scan3A_13 : f32 to vector<16xf32>
      %add3A_539 = arith.addf %mul3A_537, %add3A_538 : vector<16xf32>
      %mul3A_540 = arith.mulf %add3A_539, %mul3A_535 : vector<16xf32>
      %add3A_541 = vector.broadcast %scan3A_14 : f32 to vector<16xf32>
      %add3A_542 = arith.addf %mul3A_540, %add3A_541 : vector<16xf32>
      %mul3A_543 = arith.mulf %add3A_542, %mul3A_535 : vector<16xf32>
      %add3A_544 = vector.broadcast %scan3A_15 : f32 to vector<16xf32>
      %add3A_545 = arith.addf %mul3A_543, %add3A_544 : vector<16xf32>
      %add3A_546 = vector.broadcast %scan3A_16 : f32 to vector<16xf32>
      %add3A_547 = arith.addf %add3A_546, %add3A_545 : vector<16xf32>
      %sub3A_548 = arith.subf %div3A_531, %add3A_547 : vector<16xf32>
      %mul3A_549 = arith.mulf %convert_element_type3A_491, %sub3A_548 : vector<16xf32>
      %sub3A_550 = arith.subf %sub3A_484, %mul3A_549 : vector<16xf32>
      %broadcast_in_dim3A_551 = arith.constant 8 : i32
      %broadcast_in_dim3A_552 = vector.broadcast %broadcast_in_dim3A_551 : i32 to vector<16xi32>
      %gather3A_553 = tpu.vector_load_idx %arg8[%get3A_32, %broadcast_in_dim3A_552] : memref<512x17xi32, #tpu.memory_space<vmem>>[vector<16xi32>, vector<16xi32>], vector<16xi32>,
      %and3A_554 = arith.constant 1 : i32
      %and3A_555 = vector.broadcast %and3A_554 : i32 to vector<16xi32>
      %and3A_556 = arith.andi %gather3A_553, %and3A_555 : vector<16xi32>
      %convert_element_type3A_557 = arith.sitofp %and3A_556 : vector<16xi32> to vector<16xf32>
      %shift_right_arithmetic3A_558 = arith.constant 1 : i32
      %shift_right_arithmetic3A_559 = vector.broadcast %shift_right_arithmetic3A_558 : i32 to vector<16xi32>
      %shift_right_arithmetic3A_560 = arith.shrsi %gather3A_553, %shift_right_arithmetic3A_559 : vector<16xi32>
      %and3A_561 = arith.constant 1 : i32
      %and3A_562 = vector.broadcast %and3A_561 : i32 to vector<16xi32>
      %and3A_563 = arith.andi %shift_right_arithmetic3A_560, %and3A_562 : vector<16xi32>
      %convert_element_type3A_564 = arith.sitofp %and3A_563 : vector<16xi32> to vector<16xf32>
      %mul3A_565 = arith.constant 2.000000e+00 : f32
      %mul3A_566 = vector.broadcast %mul3A_565 : f32 to vector<16xf32>
      %mul3A_567 = arith.mulf %convert_element_type3A_564, %mul3A_566 : vector<16xf32>
      %sub3A_568 = vector.broadcast %scan3A : f32 to vector<16xf32>
      %sub3A_569 = arith.subf %mul3A_567, %sub3A_568 : vector<16xf32>
      %shift_right_arithmetic3A_570 = arith.constant 2 : i32
      %shift_right_arithmetic3A_571 = vector.broadcast %shift_right_arithmetic3A_570 : i32 to vector<16xi32>
      %shift_right_arithmetic3A_572 = arith.shrsi %gather3A_553, %shift_right_arithmetic3A_571 : vector<16xi32>
      %and3A_573 = arith.constant 255 : i32
      %and3A_574 = vector.broadcast %and3A_573 : i32 to vector<16xi32>
      %and3A_575 = arith.andi %shift_right_arithmetic3A_572, %and3A_574 : vector<16xi32>
      %gather3A_576 = tpu.vector_load_idx %arg7[%add3A_29, %and3A_575] : memref<128x256xi32, #tpu.memory_space<vmem>>[vector<16xi32>, vector<16xi32>], vector<16xi32>,
      %shift_right_arithmetic3A_577 = arith.constant 8 : i32
      %shift_right_arithmetic3A_578 = vector.broadcast %shift_right_arithmetic3A_577 : i32 to vector<16xi32>
      %shift_right_arithmetic3A_579 = arith.shrsi %shift_right_arithmetic3A_572, %shift_right_arithmetic3A_578 : vector<16xi32>
      %sub3A_580 = arith.constant 1 : i32
      %sub3A_581 = vector.broadcast %sub3A_580 : i32 to vector<16xi32>
      %sub3A_582 = arith.subi %sub3A_581, %shift_right_arithmetic3A_579 : vector<16xi32>
      %mul3A_583 = arith.constant 16 : i32
      %mul3A_584 = vector.broadcast %mul3A_583 : i32 to vector<16xi32>
      %mul3A_585 = arith.muli %sub3A_582, %mul3A_584 : vector<16xi32>
      %shift_left3A_586 = arith.shli %gather3A_576, %mul3A_585 : vector<16xi32>
      %and3A_587 = arith.andi %shift_left3A_586, %broadcast_in_dim3A_9 : vector<16xi32>
      %bitcast3A_588 = vector.bitcast %and3A_587 : vector<16xi32> to vector<16xf32>
      %mul3A_589 = arith.mulf %sub3A_569, %bitcast3A_588 : vector<16xf32>
      %neg3A_590 = arith.constant 0.000000e+00 : f32
      %neg3A_591 = vector.broadcast %neg3A_590 : f32 to vector<16xf32>
      %neg3A_592 = arith.subf %neg3A_591, %mul3A_589 : vector<16xf32>
      %exp3A_593 = math.exp %neg3A_592 : vector<16xf32>
      %add3A_594 = vector.broadcast %scan3A : f32 to vector<16xf32>
      %add3A_595 = arith.addf %add3A_594, %exp3A_593 : vector<16xf32>
      %div3A_596 = vector.broadcast %scan3A : f32 to vector<16xf32>
      %div3A_597 = arith.divf %div3A_596, %add3A_595 : vector<16xf32>
      %add3A_598 = arith.addf %div3A_597, %div3A_597 : vector<16xf32>
      %sub3A_599 = vector.broadcast %scan3A : f32 to vector<16xf32>
      %sub3A_600 = arith.subf %add3A_598, %sub3A_599 : vector<16xf32>
      %mul3A_601 = arith.mulf %sub3A_600, %sub3A_600 : vector<16xf32>
      %mul3A_602 = vector.broadcast %scan3A_12 : f32 to vector<16xf32>
      %mul3A_603 = arith.mulf %mul3A_602, %mul3A_601 : vector<16xf32>
      %add3A_604 = vector.broadcast %scan3A_13 : f32 to vector<16xf32>
      %add3A_605 = arith.addf %mul3A_603, %add3A_604 : vector<16xf32>
      %mul3A_606 = arith.mulf %add3A_605, %mul3A_601 : vector<16xf32>
      %add3A_607 = vector.broadcast %scan3A_14 : f32 to vector<16xf32>
      %add3A_608 = arith.addf %mul3A_606, %add3A_607 : vector<16xf32>
      %mul3A_609 = arith.mulf %add3A_608, %mul3A_601 : vector<16xf32>
      %add3A_610 = vector.broadcast %scan3A_15 : f32 to vector<16xf32>
      %add3A_611 = arith.addf %mul3A_609, %add3A_610 : vector<16xf32>
      %add3A_612 = vector.broadcast %scan3A_16 : f32 to vector<16xf32>
      %add3A_613 = arith.addf %add3A_612, %add3A_611 : vector<16xf32>
      %sub3A_614 = arith.subf %div3A_597, %add3A_613 : vector<16xf32>
      %mul3A_615 = arith.mulf %convert_element_type3A_557, %sub3A_614 : vector<16xf32>
      %sub3A_616 = arith.subf %sub3A_550, %mul3A_615 : vector<16xf32>
      %broadcast_in_dim3A_617 = arith.constant 9 : i32
      %broadcast_in_dim3A_618 = vector.broadcast %broadcast_in_dim3A_617 : i32 to vector<16xi32>
      %gather3A_619 = tpu.vector_load_idx %arg8[%get3A_32, %broadcast_in_dim3A_618] : memref<512x17xi32, #tpu.memory_space<vmem>>[vector<16xi32>, vector<16xi32>], vector<16xi32>,
      %and3A_620 = arith.constant 1 : i32
      %and3A_621 = vector.broadcast %and3A_620 : i32 to vector<16xi32>
      %and3A_622 = arith.andi %gather3A_619, %and3A_621 : vector<16xi32>
      %convert_element_type3A_623 = arith.sitofp %and3A_622 : vector<16xi32> to vector<16xf32>
      %shift_right_arithmetic3A_624 = arith.constant 1 : i32
      %shift_right_arithmetic3A_625 = vector.broadcast %shift_right_arithmetic3A_624 : i32 to vector<16xi32>
      %shift_right_arithmetic3A_626 = arith.shrsi %gather3A_619, %shift_right_arithmetic3A_625 : vector<16xi32>
      %and3A_627 = arith.constant 1 : i32
      %and3A_628 = vector.broadcast %and3A_627 : i32 to vector<16xi32>
      %and3A_629 = arith.andi %shift_right_arithmetic3A_626, %and3A_628 : vector<16xi32>
      %convert_element_type3A_630 = arith.sitofp %and3A_629 : vector<16xi32> to vector<16xf32>
      %mul3A_631 = arith.constant 2.000000e+00 : f32
      %mul3A_632 = vector.broadcast %mul3A_631 : f32 to vector<16xf32>
      %mul3A_633 = arith.mulf %convert_element_type3A_630, %mul3A_632 : vector<16xf32>
      %sub3A_634 = vector.broadcast %scan3A : f32 to vector<16xf32>
      %sub3A_635 = arith.subf %mul3A_633, %sub3A_634 : vector<16xf32>
      %shift_right_arithmetic3A_636 = arith.constant 2 : i32
      %shift_right_arithmetic3A_637 = vector.broadcast %shift_right_arithmetic3A_636 : i32 to vector<16xi32>
      %shift_right_arithmetic3A_638 = arith.shrsi %gather3A_619, %shift_right_arithmetic3A_637 : vector<16xi32>
      %and3A_639 = arith.constant 255 : i32
      %and3A_640 = vector.broadcast %and3A_639 : i32 to vector<16xi32>
      %and3A_641 = arith.andi %shift_right_arithmetic3A_638, %and3A_640 : vector<16xi32>
      %gather3A_642 = tpu.vector_load_idx %arg7[%add3A_29, %and3A_641] : memref<128x256xi32, #tpu.memory_space<vmem>>[vector<16xi32>, vector<16xi32>], vector<16xi32>,
      %shift_right_arithmetic3A_643 = arith.constant 8 : i32
      %shift_right_arithmetic3A_644 = vector.broadcast %shift_right_arithmetic3A_643 : i32 to vector<16xi32>
      %shift_right_arithmetic3A_645 = arith.shrsi %shift_right_arithmetic3A_638, %shift_right_arithmetic3A_644 : vector<16xi32>
      %sub3A_646 = arith.constant 1 : i32
      %sub3A_647 = vector.broadcast %sub3A_646 : i32 to vector<16xi32>
      %sub3A_648 = arith.subi %sub3A_647, %shift_right_arithmetic3A_645 : vector<16xi32>
      %mul3A_649 = arith.constant 16 : i32
      %mul3A_650 = vector.broadcast %mul3A_649 : i32 to vector<16xi32>
      %mul3A_651 = arith.muli %sub3A_648, %mul3A_650 : vector<16xi32>
      %shift_left3A_652 = arith.shli %gather3A_642, %mul3A_651 : vector<16xi32>
      %and3A_653 = arith.andi %shift_left3A_652, %broadcast_in_dim3A_9 : vector<16xi32>
      %bitcast3A_654 = vector.bitcast %and3A_653 : vector<16xi32> to vector<16xf32>
      %mul3A_655 = arith.mulf %sub3A_635, %bitcast3A_654 : vector<16xf32>
      %neg3A_656 = arith.constant 0.000000e+00 : f32
      %neg3A_657 = vector.broadcast %neg3A_656 : f32 to vector<16xf32>
      %neg3A_658 = arith.subf %neg3A_657, %mul3A_655 : vector<16xf32>
      %exp3A_659 = math.exp %neg3A_658 : vector<16xf32>
      %add3A_660 = vector.broadcast %scan3A : f32 to vector<16xf32>
      %add3A_661 = arith.addf %add3A_660, %exp3A_659 : vector<16xf32>
      %div3A_662 = vector.broadcast %scan3A : f32 to vector<16xf32>
      %div3A_663 = arith.divf %div3A_662, %add3A_661 : vector<16xf32>
      %add3A_664 = arith.addf %div3A_663, %div3A_663 : vector<16xf32>
      %sub3A_665 = vector.broadcast %scan3A : f32 to vector<16xf32>
      %sub3A_666 = arith.subf %add3A_664, %sub3A_665 : vector<16xf32>
      %mul3A_667 = arith.mulf %sub3A_666, %sub3A_666 : vector<16xf32>
      %mul3A_668 = vector.broadcast %scan3A_12 : f32 to vector<16xf32>
      %mul3A_669 = arith.mulf %mul3A_668, %mul3A_667 : vector<16xf32>
      %add3A_670 = vector.broadcast %scan3A_13 : f32 to vector<16xf32>
      %add3A_671 = arith.addf %mul3A_669, %add3A_670 : vector<16xf32>
      %mul3A_672 = arith.mulf %add3A_671, %mul3A_667 : vector<16xf32>
      %add3A_673 = vector.broadcast %scan3A_14 : f32 to vector<16xf32>
      %add3A_674 = arith.addf %mul3A_672, %add3A_673 : vector<16xf32>
      %mul3A_675 = arith.mulf %add3A_674, %mul3A_667 : vector<16xf32>
      %add3A_676 = vector.broadcast %scan3A_15 : f32 to vector<16xf32>
      %add3A_677 = arith.addf %mul3A_675, %add3A_676 : vector<16xf32>
      %add3A_678 = vector.broadcast %scan3A_16 : f32 to vector<16xf32>
      %add3A_679 = arith.addf %add3A_678, %add3A_677 : vector<16xf32>
      %sub3A_680 = arith.subf %div3A_663, %add3A_679 : vector<16xf32>
      %mul3A_681 = arith.mulf %convert_element_type3A_623, %sub3A_680 : vector<16xf32>
      %sub3A_682 = arith.subf %sub3A_616, %mul3A_681 : vector<16xf32>
      %broadcast_in_dim3A_683 = arith.constant 10 : i32
      %broadcast_in_dim3A_684 = vector.broadcast %broadcast_in_dim3A_683 : i32 to vector<16xi32>
      %gather3A_685 = tpu.vector_load_idx %arg8[%get3A_32, %broadcast_in_dim3A_684] : memref<512x17xi32, #tpu.memory_space<vmem>>[vector<16xi32>, vector<16xi32>], vector<16xi32>,
      %and3A_686 = arith.constant 1 : i32
      %and3A_687 = vector.broadcast %and3A_686 : i32 to vector<16xi32>
      %and3A_688 = arith.andi %gather3A_685, %and3A_687 : vector<16xi32>
      %convert_element_type3A_689 = arith.sitofp %and3A_688 : vector<16xi32> to vector<16xf32>
      %shift_right_arithmetic3A_690 = arith.constant 1 : i32
      %shift_right_arithmetic3A_691 = vector.broadcast %shift_right_arithmetic3A_690 : i32 to vector<16xi32>
      %shift_right_arithmetic3A_692 = arith.shrsi %gather3A_685, %shift_right_arithmetic3A_691 : vector<16xi32>
      %and3A_693 = arith.constant 1 : i32
      %and3A_694 = vector.broadcast %and3A_693 : i32 to vector<16xi32>
      %and3A_695 = arith.andi %shift_right_arithmetic3A_692, %and3A_694 : vector<16xi32>
      %convert_element_type3A_696 = arith.sitofp %and3A_695 : vector<16xi32> to vector<16xf32>
      %mul3A_697 = arith.constant 2.000000e+00 : f32
      %mul3A_698 = vector.broadcast %mul3A_697 : f32 to vector<16xf32>
      %mul3A_699 = arith.mulf %convert_element_type3A_696, %mul3A_698 : vector<16xf32>
      %sub3A_700 = vector.broadcast %scan3A : f32 to vector<16xf32>
      %sub3A_701 = arith.subf %mul3A_699, %sub3A_700 : vector<16xf32>
      %shift_right_arithmetic3A_702 = arith.constant 2 : i32
      %shift_right_arithmetic3A_703 = vector.broadcast %shift_right_arithmetic3A_702 : i32 to vector<16xi32>
      %shift_right_arithmetic3A_704 = arith.shrsi %gather3A_685, %shift_right_arithmetic3A_703 : vector<16xi32>
      %and3A_705 = arith.constant 255 : i32
      %and3A_706 = vector.broadcast %and3A_705 : i32 to vector<16xi32>
      %and3A_707 = arith.andi %shift_right_arithmetic3A_704, %and3A_706 : vector<16xi32>
      %gather3A_708 = tpu.vector_load_idx %arg7[%add3A_29, %and3A_707] : memref<128x256xi32, #tpu.memory_space<vmem>>[vector<16xi32>, vector<16xi32>], vector<16xi32>,
      %shift_right_arithmetic3A_709 = arith.constant 8 : i32
      %shift_right_arithmetic3A_710 = vector.broadcast %shift_right_arithmetic3A_709 : i32 to vector<16xi32>
      %shift_right_arithmetic3A_711 = arith.shrsi %shift_right_arithmetic3A_704, %shift_right_arithmetic3A_710 : vector<16xi32>
      %sub3A_712 = arith.constant 1 : i32
      %sub3A_713 = vector.broadcast %sub3A_712 : i32 to vector<16xi32>
      %sub3A_714 = arith.subi %sub3A_713, %shift_right_arithmetic3A_711 : vector<16xi32>
      %mul3A_715 = arith.constant 16 : i32
      %mul3A_716 = vector.broadcast %mul3A_715 : i32 to vector<16xi32>
      %mul3A_717 = arith.muli %sub3A_714, %mul3A_716 : vector<16xi32>
      %shift_left3A_718 = arith.shli %gather3A_708, %mul3A_717 : vector<16xi32>
      %and3A_719 = arith.andi %shift_left3A_718, %broadcast_in_dim3A_9 : vector<16xi32>
      %bitcast3A_720 = vector.bitcast %and3A_719 : vector<16xi32> to vector<16xf32>
      %mul3A_721 = arith.mulf %sub3A_701, %bitcast3A_720 : vector<16xf32>
      %neg3A_722 = arith.constant 0.000000e+00 : f32
      %neg3A_723 = vector.broadcast %neg3A_722 : f32 to vector<16xf32>
      %neg3A_724 = arith.subf %neg3A_723, %mul3A_721 : vector<16xf32>
      %exp3A_725 = math.exp %neg3A_724 : vector<16xf32>
      %add3A_726 = vector.broadcast %scan3A : f32 to vector<16xf32>
      %add3A_727 = arith.addf %add3A_726, %exp3A_725 : vector<16xf32>
      %div3A_728 = vector.broadcast %scan3A : f32 to vector<16xf32>
      %div3A_729 = arith.divf %div3A_728, %add3A_727 : vector<16xf32>
      %add3A_730 = arith.addf %div3A_729, %div3A_729 : vector<16xf32>
      %sub3A_731 = vector.broadcast %scan3A : f32 to vector<16xf32>
      %sub3A_732 = arith.subf %add3A_730, %sub3A_731 : vector<16xf32>
      %mul3A_733 = arith.mulf %sub3A_732, %sub3A_732 : vector<16xf32>
      %mul3A_734 = vector.broadcast %scan3A_12 : f32 to vector<16xf32>
      %mul3A_735 = arith.mulf %mul3A_734, %mul3A_733 : vector<16xf32>
      %add3A_736 = vector.broadcast %scan3A_13 : f32 to vector<16xf32>
      %add3A_737 = arith.addf %mul3A_735, %add3A_736 : vector<16xf32>
      %mul3A_738 = arith.mulf %add3A_737, %mul3A_733 : vector<16xf32>
      %add3A_739 = vector.broadcast %scan3A_14 : f32 to vector<16xf32>
      %add3A_740 = arith.addf %mul3A_738, %add3A_739 : vector<16xf32>
      %mul3A_741 = arith.mulf %add3A_740, %mul3A_733 : vector<16xf32>
      %add3A_742 = vector.broadcast %scan3A_15 : f32 to vector<16xf32>
      %add3A_743 = arith.addf %mul3A_741, %add3A_742 : vector<16xf32>
      %add3A_744 = vector.broadcast %scan3A_16 : f32 to vector<16xf32>
      %add3A_745 = arith.addf %add3A_744, %add3A_743 : vector<16xf32>
      %sub3A_746 = arith.subf %div3A_729, %add3A_745 : vector<16xf32>
      %mul3A_747 = arith.mulf %convert_element_type3A_689, %sub3A_746 : vector<16xf32>
      %sub3A_748 = arith.subf %sub3A_682, %mul3A_747 : vector<16xf32>
      %broadcast_in_dim3A_749 = arith.constant 11 : i32
      %broadcast_in_dim3A_750 = vector.broadcast %broadcast_in_dim3A_749 : i32 to vector<16xi32>
      %gather3A_751 = tpu.vector_load_idx %arg8[%get3A_32, %broadcast_in_dim3A_750] : memref<512x17xi32, #tpu.memory_space<vmem>>[vector<16xi32>, vector<16xi32>], vector<16xi32>,
      %and3A_752 = arith.constant 1 : i32
      %and3A_753 = vector.broadcast %and3A_752 : i32 to vector<16xi32>
      %and3A_754 = arith.andi %gather3A_751, %and3A_753 : vector<16xi32>
      %convert_element_type3A_755 = arith.sitofp %and3A_754 : vector<16xi32> to vector<16xf32>
      %shift_right_arithmetic3A_756 = arith.constant 1 : i32
      %shift_right_arithmetic3A_757 = vector.broadcast %shift_right_arithmetic3A_756 : i32 to vector<16xi32>
      %shift_right_arithmetic3A_758 = arith.shrsi %gather3A_751, %shift_right_arithmetic3A_757 : vector<16xi32>
      %and3A_759 = arith.constant 1 : i32
      %and3A_760 = vector.broadcast %and3A_759 : i32 to vector<16xi32>
      %and3A_761 = arith.andi %shift_right_arithmetic3A_758, %and3A_760 : vector<16xi32>
      %convert_element_type3A_762 = arith.sitofp %and3A_761 : vector<16xi32> to vector<16xf32>
      %mul3A_763 = arith.constant 2.000000e+00 : f32
      %mul3A_764 = vector.broadcast %mul3A_763 : f32 to vector<16xf32>
      %mul3A_765 = arith.mulf %convert_element_type3A_762, %mul3A_764 : vector<16xf32>
      %sub3A_766 = vector.broadcast %scan3A : f32 to vector<16xf32>
      %sub3A_767 = arith.subf %mul3A_765, %sub3A_766 : vector<16xf32>
      %shift_right_arithmetic3A_768 = arith.constant 2 : i32
      %shift_right_arithmetic3A_769 = vector.broadcast %shift_right_arithmetic3A_768 : i32 to vector<16xi32>
      %shift_right_arithmetic3A_770 = arith.shrsi %gather3A_751, %shift_right_arithmetic3A_769 : vector<16xi32>
      %and3A_771 = arith.constant 255 : i32
      %and3A_772 = vector.broadcast %and3A_771 : i32 to vector<16xi32>
      %and3A_773 = arith.andi %shift_right_arithmetic3A_770, %and3A_772 : vector<16xi32>
      %gather3A_774 = tpu.vector_load_idx %arg7[%add3A_29, %and3A_773] : memref<128x256xi32, #tpu.memory_space<vmem>>[vector<16xi32>, vector<16xi32>], vector<16xi32>,
      %shift_right_arithmetic3A_775 = arith.constant 8 : i32
      %shift_right_arithmetic3A_776 = vector.broadcast %shift_right_arithmetic3A_775 : i32 to vector<16xi32>
      %shift_right_arithmetic3A_777 = arith.shrsi %shift_right_arithmetic3A_770, %shift_right_arithmetic3A_776 : vector<16xi32>
      %sub3A_778 = arith.constant 1 : i32
      %sub3A_779 = vector.broadcast %sub3A_778 : i32 to vector<16xi32>
      %sub3A_780 = arith.subi %sub3A_779, %shift_right_arithmetic3A_777 : vector<16xi32>
      %mul3A_781 = arith.constant 16 : i32
      %mul3A_782 = vector.broadcast %mul3A_781 : i32 to vector<16xi32>
      %mul3A_783 = arith.muli %sub3A_780, %mul3A_782 : vector<16xi32>
      %shift_left3A_784 = arith.shli %gather3A_774, %mul3A_783 : vector<16xi32>
      %and3A_785 = arith.andi %shift_left3A_784, %broadcast_in_dim3A_9 : vector<16xi32>
      %bitcast3A_786 = vector.bitcast %and3A_785 : vector<16xi32> to vector<16xf32>
      %mul3A_787 = arith.mulf %sub3A_767, %bitcast3A_786 : vector<16xf32>
      %neg3A_788 = arith.constant 0.000000e+00 : f32
      %neg3A_789 = vector.broadcast %neg3A_788 : f32 to vector<16xf32>
      %neg3A_790 = arith.subf %neg3A_789, %mul3A_787 : vector<16xf32>
      %exp3A_791 = math.exp %neg3A_790 : vector<16xf32>
      %add3A_792 = vector.broadcast %scan3A : f32 to vector<16xf32>
      %add3A_793 = arith.addf %add3A_792, %exp3A_791 : vector<16xf32>
      %div3A_794 = vector.broadcast %scan3A : f32 to vector<16xf32>
      %div3A_795 = arith.divf %div3A_794, %add3A_793 : vector<16xf32>
      %add3A_796 = arith.addf %div3A_795, %div3A_795 : vector<16xf32>
      %sub3A_797 = vector.broadcast %scan3A : f32 to vector<16xf32>
      %sub3A_798 = arith.subf %add3A_796, %sub3A_797 : vector<16xf32>
      %mul3A_799 = arith.mulf %sub3A_798, %sub3A_798 : vector<16xf32>
      %mul3A_800 = vector.broadcast %scan3A_12 : f32 to vector<16xf32>
      %mul3A_801 = arith.mulf %mul3A_800, %mul3A_799 : vector<16xf32>
      %add3A_802 = vector.broadcast %scan3A_13 : f32 to vector<16xf32>
      %add3A_803 = arith.addf %mul3A_801, %add3A_802 : vector<16xf32>
      %mul3A_804 = arith.mulf %add3A_803, %mul3A_799 : vector<16xf32>
      %add3A_805 = vector.broadcast %scan3A_14 : f32 to vector<16xf32>
      %add3A_806 = arith.addf %mul3A_804, %add3A_805 : vector<16xf32>
      %mul3A_807 = arith.mulf %add3A_806, %mul3A_799 : vector<16xf32>
      %add3A_808 = vector.broadcast %scan3A_15 : f32 to vector<16xf32>
      %add3A_809 = arith.addf %mul3A_807, %add3A_808 : vector<16xf32>
      %add3A_810 = vector.broadcast %scan3A_16 : f32 to vector<16xf32>
      %add3A_811 = arith.addf %add3A_810, %add3A_809 : vector<16xf32>
      %sub3A_812 = arith.subf %div3A_795, %add3A_811 : vector<16xf32>
      %mul3A_813 = arith.mulf %convert_element_type3A_755, %sub3A_812 : vector<16xf32>
      %sub3A_814 = arith.subf %sub3A_748, %mul3A_813 : vector<16xf32>
      %broadcast_in_dim3A_815 = arith.constant 12 : i32
      %broadcast_in_dim3A_816 = vector.broadcast %broadcast_in_dim3A_815 : i32 to vector<16xi32>
      %gather3A_817 = tpu.vector_load_idx %arg8[%get3A_32, %broadcast_in_dim3A_816] : memref<512x17xi32, #tpu.memory_space<vmem>>[vector<16xi32>, vector<16xi32>], vector<16xi32>,
      %and3A_818 = arith.constant 1 : i32
      %and3A_819 = vector.broadcast %and3A_818 : i32 to vector<16xi32>
      %and3A_820 = arith.andi %gather3A_817, %and3A_819 : vector<16xi32>
      %convert_element_type3A_821 = arith.sitofp %and3A_820 : vector<16xi32> to vector<16xf32>
      %shift_right_arithmetic3A_822 = arith.constant 1 : i32
      %shift_right_arithmetic3A_823 = vector.broadcast %shift_right_arithmetic3A_822 : i32 to vector<16xi32>
      %shift_right_arithmetic3A_824 = arith.shrsi %gather3A_817, %shift_right_arithmetic3A_823 : vector<16xi32>
      %and3A_825 = arith.constant 1 : i32
      %and3A_826 = vector.broadcast %and3A_825 : i32 to vector<16xi32>
      %and3A_827 = arith.andi %shift_right_arithmetic3A_824, %and3A_826 : vector<16xi32>
      %convert_element_type3A_828 = arith.sitofp %and3A_827 : vector<16xi32> to vector<16xf32>
      %mul3A_829 = arith.constant 2.000000e+00 : f32
      %mul3A_830 = vector.broadcast %mul3A_829 : f32 to vector<16xf32>
      %mul3A_831 = arith.mulf %convert_element_type3A_828, %mul3A_830 : vector<16xf32>
      %sub3A_832 = vector.broadcast %scan3A : f32 to vector<16xf32>
      %sub3A_833 = arith.subf %mul3A_831, %sub3A_832 : vector<16xf32>
      %shift_right_arithmetic3A_834 = arith.constant 2 : i32
      %shift_right_arithmetic3A_835 = vector.broadcast %shift_right_arithmetic3A_834 : i32 to vector<16xi32>
      %shift_right_arithmetic3A_836 = arith.shrsi %gather3A_817, %shift_right_arithmetic3A_835 : vector<16xi32>
      %and3A_837 = arith.constant 255 : i32
      %and3A_838 = vector.broadcast %and3A_837 : i32 to vector<16xi32>
      %and3A_839 = arith.andi %shift_right_arithmetic3A_836, %and3A_838 : vector<16xi32>
      %gather3A_840 = tpu.vector_load_idx %arg7[%add3A_29, %and3A_839] : memref<128x256xi32, #tpu.memory_space<vmem>>[vector<16xi32>, vector<16xi32>], vector<16xi32>,
      %shift_right_arithmetic3A_841 = arith.constant 8 : i32
      %shift_right_arithmetic3A_842 = vector.broadcast %shift_right_arithmetic3A_841 : i32 to vector<16xi32>
      %shift_right_arithmetic3A_843 = arith.shrsi %shift_right_arithmetic3A_836, %shift_right_arithmetic3A_842 : vector<16xi32>
      %sub3A_844 = arith.constant 1 : i32
      %sub3A_845 = vector.broadcast %sub3A_844 : i32 to vector<16xi32>
      %sub3A_846 = arith.subi %sub3A_845, %shift_right_arithmetic3A_843 : vector<16xi32>
      %mul3A_847 = arith.constant 16 : i32
      %mul3A_848 = vector.broadcast %mul3A_847 : i32 to vector<16xi32>
      %mul3A_849 = arith.muli %sub3A_846, %mul3A_848 : vector<16xi32>
      %shift_left3A_850 = arith.shli %gather3A_840, %mul3A_849 : vector<16xi32>
      %and3A_851 = arith.andi %shift_left3A_850, %broadcast_in_dim3A_9 : vector<16xi32>
      %bitcast3A_852 = vector.bitcast %and3A_851 : vector<16xi32> to vector<16xf32>
      %mul3A_853 = arith.mulf %sub3A_833, %bitcast3A_852 : vector<16xf32>
      %neg3A_854 = arith.constant 0.000000e+00 : f32
      %neg3A_855 = vector.broadcast %neg3A_854 : f32 to vector<16xf32>
      %neg3A_856 = arith.subf %neg3A_855, %mul3A_853 : vector<16xf32>
      %exp3A_857 = math.exp %neg3A_856 : vector<16xf32>
      %add3A_858 = vector.broadcast %scan3A : f32 to vector<16xf32>
      %add3A_859 = arith.addf %add3A_858, %exp3A_857 : vector<16xf32>
      %div3A_860 = vector.broadcast %scan3A : f32 to vector<16xf32>
      %div3A_861 = arith.divf %div3A_860, %add3A_859 : vector<16xf32>
      %add3A_862 = arith.addf %div3A_861, %div3A_861 : vector<16xf32>
      %sub3A_863 = vector.broadcast %scan3A : f32 to vector<16xf32>
      %sub3A_864 = arith.subf %add3A_862, %sub3A_863 : vector<16xf32>
      %mul3A_865 = arith.mulf %sub3A_864, %sub3A_864 : vector<16xf32>
      %mul3A_866 = vector.broadcast %scan3A_12 : f32 to vector<16xf32>
      %mul3A_867 = arith.mulf %mul3A_866, %mul3A_865 : vector<16xf32>
      %add3A_868 = vector.broadcast %scan3A_13 : f32 to vector<16xf32>
      %add3A_869 = arith.addf %mul3A_867, %add3A_868 : vector<16xf32>
      %mul3A_870 = arith.mulf %add3A_869, %mul3A_865 : vector<16xf32>
      %add3A_871 = vector.broadcast %scan3A_14 : f32 to vector<16xf32>
      %add3A_872 = arith.addf %mul3A_870, %add3A_871 : vector<16xf32>
      %mul3A_873 = arith.mulf %add3A_872, %mul3A_865 : vector<16xf32>
      %add3A_874 = vector.broadcast %scan3A_15 : f32 to vector<16xf32>
      %add3A_875 = arith.addf %mul3A_873, %add3A_874 : vector<16xf32>
      %add3A_876 = vector.broadcast %scan3A_16 : f32 to vector<16xf32>
      %add3A_877 = arith.addf %add3A_876, %add3A_875 : vector<16xf32>
      %sub3A_878 = arith.subf %div3A_861, %add3A_877 : vector<16xf32>
      %mul3A_879 = arith.mulf %convert_element_type3A_821, %sub3A_878 : vector<16xf32>
      %sub3A_880 = arith.subf %sub3A_814, %mul3A_879 : vector<16xf32>
      %broadcast_in_dim3A_881 = arith.constant 13 : i32
      %broadcast_in_dim3A_882 = vector.broadcast %broadcast_in_dim3A_881 : i32 to vector<16xi32>
      %gather3A_883 = tpu.vector_load_idx %arg8[%get3A_32, %broadcast_in_dim3A_882] : memref<512x17xi32, #tpu.memory_space<vmem>>[vector<16xi32>, vector<16xi32>], vector<16xi32>,
      %and3A_884 = arith.constant 1 : i32
      %and3A_885 = vector.broadcast %and3A_884 : i32 to vector<16xi32>
      %and3A_886 = arith.andi %gather3A_883, %and3A_885 : vector<16xi32>
      %convert_element_type3A_887 = arith.sitofp %and3A_886 : vector<16xi32> to vector<16xf32>
      %shift_right_arithmetic3A_888 = arith.constant 1 : i32
      %shift_right_arithmetic3A_889 = vector.broadcast %shift_right_arithmetic3A_888 : i32 to vector<16xi32>
      %shift_right_arithmetic3A_890 = arith.shrsi %gather3A_883, %shift_right_arithmetic3A_889 : vector<16xi32>
      %and3A_891 = arith.constant 1 : i32
      %and3A_892 = vector.broadcast %and3A_891 : i32 to vector<16xi32>
      %and3A_893 = arith.andi %shift_right_arithmetic3A_890, %and3A_892 : vector<16xi32>
      %convert_element_type3A_894 = arith.sitofp %and3A_893 : vector<16xi32> to vector<16xf32>
      %mul3A_895 = arith.constant 2.000000e+00 : f32
      %mul3A_896 = vector.broadcast %mul3A_895 : f32 to vector<16xf32>
      %mul3A_897 = arith.mulf %convert_element_type3A_894, %mul3A_896 : vector<16xf32>
      %sub3A_898 = vector.broadcast %scan3A : f32 to vector<16xf32>
      %sub3A_899 = arith.subf %mul3A_897, %sub3A_898 : vector<16xf32>
      %shift_right_arithmetic3A_900 = arith.constant 2 : i32
      %shift_right_arithmetic3A_901 = vector.broadcast %shift_right_arithmetic3A_900 : i32 to vector<16xi32>
      %shift_right_arithmetic3A_902 = arith.shrsi %gather3A_883, %shift_right_arithmetic3A_901 : vector<16xi32>
      %and3A_903 = arith.constant 255 : i32
      %and3A_904 = vector.broadcast %and3A_903 : i32 to vector<16xi32>
      %and3A_905 = arith.andi %shift_right_arithmetic3A_902, %and3A_904 : vector<16xi32>
      %gather3A_906 = tpu.vector_load_idx %arg7[%add3A_29, %and3A_905] : memref<128x256xi32, #tpu.memory_space<vmem>>[vector<16xi32>, vector<16xi32>], vector<16xi32>,
      %shift_right_arithmetic3A_907 = arith.constant 8 : i32
      %shift_right_arithmetic3A_908 = vector.broadcast %shift_right_arithmetic3A_907 : i32 to vector<16xi32>
      %shift_right_arithmetic3A_909 = arith.shrsi %shift_right_arithmetic3A_902, %shift_right_arithmetic3A_908 : vector<16xi32>
      %sub3A_910 = arith.constant 1 : i32
      %sub3A_911 = vector.broadcast %sub3A_910 : i32 to vector<16xi32>
      %sub3A_912 = arith.subi %sub3A_911, %shift_right_arithmetic3A_909 : vector<16xi32>
      %mul3A_913 = arith.constant 16 : i32
      %mul3A_914 = vector.broadcast %mul3A_913 : i32 to vector<16xi32>
      %mul3A_915 = arith.muli %sub3A_912, %mul3A_914 : vector<16xi32>
      %shift_left3A_916 = arith.shli %gather3A_906, %mul3A_915 : vector<16xi32>
      %and3A_917 = arith.andi %shift_left3A_916, %broadcast_in_dim3A_9 : vector<16xi32>
      %bitcast3A_918 = vector.bitcast %and3A_917 : vector<16xi32> to vector<16xf32>
      %mul3A_919 = arith.mulf %sub3A_899, %bitcast3A_918 : vector<16xf32>
      %neg3A_920 = arith.constant 0.000000e+00 : f32
      %neg3A_921 = vector.broadcast %neg3A_920 : f32 to vector<16xf32>
      %neg3A_922 = arith.subf %neg3A_921, %mul3A_919 : vector<16xf32>
      %exp3A_923 = math.exp %neg3A_922 : vector<16xf32>
      %add3A_924 = vector.broadcast %scan3A : f32 to vector<16xf32>
      %add3A_925 = arith.addf %add3A_924, %exp3A_923 : vector<16xf32>
      %div3A_926 = vector.broadcast %scan3A : f32 to vector<16xf32>
      %div3A_927 = arith.divf %div3A_926, %add3A_925 : vector<16xf32>
      %add3A_928 = arith.addf %div3A_927, %div3A_927 : vector<16xf32>
      %sub3A_929 = vector.broadcast %scan3A : f32 to vector<16xf32>
      %sub3A_930 = arith.subf %add3A_928, %sub3A_929 : vector<16xf32>
      %mul3A_931 = arith.mulf %sub3A_930, %sub3A_930 : vector<16xf32>
      %mul3A_932 = vector.broadcast %scan3A_12 : f32 to vector<16xf32>
      %mul3A_933 = arith.mulf %mul3A_932, %mul3A_931 : vector<16xf32>
      %add3A_934 = vector.broadcast %scan3A_13 : f32 to vector<16xf32>
      %add3A_935 = arith.addf %mul3A_933, %add3A_934 : vector<16xf32>
      %mul3A_936 = arith.mulf %add3A_935, %mul3A_931 : vector<16xf32>
      %add3A_937 = vector.broadcast %scan3A_14 : f32 to vector<16xf32>
      %add3A_938 = arith.addf %mul3A_936, %add3A_937 : vector<16xf32>
      %mul3A_939 = arith.mulf %add3A_938, %mul3A_931 : vector<16xf32>
      %add3A_940 = vector.broadcast %scan3A_15 : f32 to vector<16xf32>
      %add3A_941 = arith.addf %mul3A_939, %add3A_940 : vector<16xf32>
      %add3A_942 = vector.broadcast %scan3A_16 : f32 to vector<16xf32>
      %add3A_943 = arith.addf %add3A_942, %add3A_941 : vector<16xf32>
      %sub3A_944 = arith.subf %div3A_927, %add3A_943 : vector<16xf32>
      %mul3A_945 = arith.mulf %convert_element_type3A_887, %sub3A_944 : vector<16xf32>
      %sub3A_946 = arith.subf %sub3A_880, %mul3A_945 : vector<16xf32>
      %broadcast_in_dim3A_947 = arith.constant 14 : i32
      %broadcast_in_dim3A_948 = vector.broadcast %broadcast_in_dim3A_947 : i32 to vector<16xi32>
      %gather3A_949 = tpu.vector_load_idx %arg8[%get3A_32, %broadcast_in_dim3A_948] : memref<512x17xi32, #tpu.memory_space<vmem>>[vector<16xi32>, vector<16xi32>], vector<16xi32>,
      %and3A_950 = arith.constant 1 : i32
      %and3A_951 = vector.broadcast %and3A_950 : i32 to vector<16xi32>
      %and3A_952 = arith.andi %gather3A_949, %and3A_951 : vector<16xi32>
      %convert_element_type3A_953 = arith.sitofp %and3A_952 : vector<16xi32> to vector<16xf32>
      %shift_right_arithmetic3A_954 = arith.constant 1 : i32
      %shift_right_arithmetic3A_955 = vector.broadcast %shift_right_arithmetic3A_954 : i32 to vector<16xi32>
      %shift_right_arithmetic3A_956 = arith.shrsi %gather3A_949, %shift_right_arithmetic3A_955 : vector<16xi32>
      %and3A_957 = arith.constant 1 : i32
      %and3A_958 = vector.broadcast %and3A_957 : i32 to vector<16xi32>
      %and3A_959 = arith.andi %shift_right_arithmetic3A_956, %and3A_958 : vector<16xi32>
      %convert_element_type3A_960 = arith.sitofp %and3A_959 : vector<16xi32> to vector<16xf32>
      %mul3A_961 = arith.constant 2.000000e+00 : f32
      %mul3A_962 = vector.broadcast %mul3A_961 : f32 to vector<16xf32>
      %mul3A_963 = arith.mulf %convert_element_type3A_960, %mul3A_962 : vector<16xf32>
      %sub3A_964 = vector.broadcast %scan3A : f32 to vector<16xf32>
      %sub3A_965 = arith.subf %mul3A_963, %sub3A_964 : vector<16xf32>
      %shift_right_arithmetic3A_966 = arith.constant 2 : i32
      %shift_right_arithmetic3A_967 = vector.broadcast %shift_right_arithmetic3A_966 : i32 to vector<16xi32>
      %shift_right_arithmetic3A_968 = arith.shrsi %gather3A_949, %shift_right_arithmetic3A_967 : vector<16xi32>
      %and3A_969 = arith.constant 255 : i32
      %and3A_970 = vector.broadcast %and3A_969 : i32 to vector<16xi32>
      %and3A_971 = arith.andi %shift_right_arithmetic3A_968, %and3A_970 : vector<16xi32>
      %gather3A_972 = tpu.vector_load_idx %arg7[%add3A_29, %and3A_971] : memref<128x256xi32, #tpu.memory_space<vmem>>[vector<16xi32>, vector<16xi32>], vector<16xi32>,
      %shift_right_arithmetic3A_973 = arith.constant 8 : i32
      %shift_right_arithmetic3A_974 = vector.broadcast %shift_right_arithmetic3A_973 : i32 to vector<16xi32>
      %shift_right_arithmetic3A_975 = arith.shrsi %shift_right_arithmetic3A_968, %shift_right_arithmetic3A_974 : vector<16xi32>
      %sub3A_976 = arith.constant 1 : i32
      %sub3A_977 = vector.broadcast %sub3A_976 : i32 to vector<16xi32>
      %sub3A_978 = arith.subi %sub3A_977, %shift_right_arithmetic3A_975 : vector<16xi32>
      %mul3A_979 = arith.constant 16 : i32
      %mul3A_980 = vector.broadcast %mul3A_979 : i32 to vector<16xi32>
      %mul3A_981 = arith.muli %sub3A_978, %mul3A_980 : vector<16xi32>
      %shift_left3A_982 = arith.shli %gather3A_972, %mul3A_981 : vector<16xi32>
      %and3A_983 = arith.andi %shift_left3A_982, %broadcast_in_dim3A_9 : vector<16xi32>
      %bitcast3A_984 = vector.bitcast %and3A_983 : vector<16xi32> to vector<16xf32>
      %mul3A_985 = arith.mulf %sub3A_965, %bitcast3A_984 : vector<16xf32>
      %neg3A_986 = arith.constant 0.000000e+00 : f32
      %neg3A_987 = vector.broadcast %neg3A_986 : f32 to vector<16xf32>
      %neg3A_988 = arith.subf %neg3A_987, %mul3A_985 : vector<16xf32>
      %exp3A_989 = math.exp %neg3A_988 : vector<16xf32>
      %add3A_990 = vector.broadcast %scan3A : f32 to vector<16xf32>
      %add3A_991 = arith.addf %add3A_990, %exp3A_989 : vector<16xf32>
      %div3A_992 = vector.broadcast %scan3A : f32 to vector<16xf32>
      %div3A_993 = arith.divf %div3A_992, %add3A_991 : vector<16xf32>
      %add3A_994 = arith.addf %div3A_993, %div3A_993 : vector<16xf32>
      %sub3A_995 = vector.broadcast %scan3A : f32 to vector<16xf32>
      %sub3A_996 = arith.subf %add3A_994, %sub3A_995 : vector<16xf32>
      %mul3A_997 = arith.mulf %sub3A_996, %sub3A_996 : vector<16xf32>
      %mul3A_998 = vector.broadcast %scan3A_12 : f32 to vector<16xf32>
      %mul3A_999 = arith.mulf %mul3A_998, %mul3A_997 : vector<16xf32>
      %add3A_1000 = vector.broadcast %scan3A_13 : f32 to vector<16xf32>
      %add3A_1001 = arith.addf %mul3A_999, %add3A_1000 : vector<16xf32>
      %mul3A_1002 = arith.mulf %add3A_1001, %mul3A_997 : vector<16xf32>
      %add3A_1003 = vector.broadcast %scan3A_14 : f32 to vector<16xf32>
      %add3A_1004 = arith.addf %mul3A_1002, %add3A_1003 : vector<16xf32>
      %mul3A_1005 = arith.mulf %add3A_1004, %mul3A_997 : vector<16xf32>
      %add3A_1006 = vector.broadcast %scan3A_15 : f32 to vector<16xf32>
      %add3A_1007 = arith.addf %mul3A_1005, %add3A_1006 : vector<16xf32>
      %add3A_1008 = vector.broadcast %scan3A_16 : f32 to vector<16xf32>
      %add3A_1009 = arith.addf %add3A_1008, %add3A_1007 : vector<16xf32>
      %sub3A_1010 = arith.subf %div3A_993, %add3A_1009 : vector<16xf32>
      %mul3A_1011 = arith.mulf %convert_element_type3A_953, %sub3A_1010 : vector<16xf32>
      %sub3A_1012 = arith.subf %sub3A_946, %mul3A_1011 : vector<16xf32>
      %broadcast_in_dim3A_1013 = arith.constant 15 : i32
      %broadcast_in_dim3A_1014 = vector.broadcast %broadcast_in_dim3A_1013 : i32 to vector<16xi32>
      %gather3A_1015 = tpu.vector_load_idx %arg8[%get3A_32, %broadcast_in_dim3A_1014] : memref<512x17xi32, #tpu.memory_space<vmem>>[vector<16xi32>, vector<16xi32>], vector<16xi32>,
      %and3A_1016 = arith.constant 1 : i32
      %and3A_1017 = vector.broadcast %and3A_1016 : i32 to vector<16xi32>
      %and3A_1018 = arith.andi %gather3A_1015, %and3A_1017 : vector<16xi32>
      %convert_element_type3A_1019 = arith.sitofp %and3A_1018 : vector<16xi32> to vector<16xf32>
      %shift_right_arithmetic3A_1020 = arith.constant 1 : i32
      %shift_right_arithmetic3A_1021 = vector.broadcast %shift_right_arithmetic3A_1020 : i32 to vector<16xi32>
      %shift_right_arithmetic3A_1022 = arith.shrsi %gather3A_1015, %shift_right_arithmetic3A_1021 : vector<16xi32>
      %and3A_1023 = arith.constant 1 : i32
      %and3A_1024 = vector.broadcast %and3A_1023 : i32 to vector<16xi32>
      %and3A_1025 = arith.andi %shift_right_arithmetic3A_1022, %and3A_1024 : vector<16xi32>
      %convert_element_type3A_1026 = arith.sitofp %and3A_1025 : vector<16xi32> to vector<16xf32>
      %mul3A_1027 = arith.constant 2.000000e+00 : f32
      %mul3A_1028 = vector.broadcast %mul3A_1027 : f32 to vector<16xf32>
      %mul3A_1029 = arith.mulf %convert_element_type3A_1026, %mul3A_1028 : vector<16xf32>
      %sub3A_1030 = vector.broadcast %scan3A : f32 to vector<16xf32>
      %sub3A_1031 = arith.subf %mul3A_1029, %sub3A_1030 : vector<16xf32>
      %shift_right_arithmetic3A_1032 = arith.constant 2 : i32
      %shift_right_arithmetic3A_1033 = vector.broadcast %shift_right_arithmetic3A_1032 : i32 to vector<16xi32>
      %shift_right_arithmetic3A_1034 = arith.shrsi %gather3A_1015, %shift_right_arithmetic3A_1033 : vector<16xi32>
      %and3A_1035 = arith.constant 255 : i32
      %and3A_1036 = vector.broadcast %and3A_1035 : i32 to vector<16xi32>
      %and3A_1037 = arith.andi %shift_right_arithmetic3A_1034, %and3A_1036 : vector<16xi32>
      %gather3A_1038 = tpu.vector_load_idx %arg7[%add3A_29, %and3A_1037] : memref<128x256xi32, #tpu.memory_space<vmem>>[vector<16xi32>, vector<16xi32>], vector<16xi32>,
      %shift_right_arithmetic3A_1039 = arith.constant 8 : i32
      %shift_right_arithmetic3A_1040 = vector.broadcast %shift_right_arithmetic3A_1039 : i32 to vector<16xi32>
      %shift_right_arithmetic3A_1041 = arith.shrsi %shift_right_arithmetic3A_1034, %shift_right_arithmetic3A_1040 : vector<16xi32>
      %sub3A_1042 = arith.constant 1 : i32
      %sub3A_1043 = vector.broadcast %sub3A_1042 : i32 to vector<16xi32>
      %sub3A_1044 = arith.subi %sub3A_1043, %shift_right_arithmetic3A_1041 : vector<16xi32>
      %mul3A_1045 = arith.constant 16 : i32
      %mul3A_1046 = vector.broadcast %mul3A_1045 : i32 to vector<16xi32>
      %mul3A_1047 = arith.muli %sub3A_1044, %mul3A_1046 : vector<16xi32>
      %shift_left3A_1048 = arith.shli %gather3A_1038, %mul3A_1047 : vector<16xi32>
      %and3A_1049 = arith.andi %shift_left3A_1048, %broadcast_in_dim3A_9 : vector<16xi32>
      %bitcast3A_1050 = vector.bitcast %and3A_1049 : vector<16xi32> to vector<16xf32>
      %mul3A_1051 = arith.mulf %sub3A_1031, %bitcast3A_1050 : vector<16xf32>
      %neg3A_1052 = arith.constant 0.000000e+00 : f32
      %neg3A_1053 = vector.broadcast %neg3A_1052 : f32 to vector<16xf32>
      %neg3A_1054 = arith.subf %neg3A_1053, %mul3A_1051 : vector<16xf32>
      %exp3A_1055 = math.exp %neg3A_1054 : vector<16xf32>
      %add3A_1056 = vector.broadcast %scan3A : f32 to vector<16xf32>
      %add3A_1057 = arith.addf %add3A_1056, %exp3A_1055 : vector<16xf32>
      %div3A_1058 = vector.broadcast %scan3A : f32 to vector<16xf32>
      %div3A_1059 = arith.divf %div3A_1058, %add3A_1057 : vector<16xf32>
      %add3A_1060 = arith.addf %div3A_1059, %div3A_1059 : vector<16xf32>
      %sub3A_1061 = vector.broadcast %scan3A : f32 to vector<16xf32>
      %sub3A_1062 = arith.subf %add3A_1060, %sub3A_1061 : vector<16xf32>
      %mul3A_1063 = arith.mulf %sub3A_1062, %sub3A_1062 : vector<16xf32>
      %mul3A_1064 = vector.broadcast %scan3A_12 : f32 to vector<16xf32>
      %mul3A_1065 = arith.mulf %mul3A_1064, %mul3A_1063 : vector<16xf32>
      %add3A_1066 = vector.broadcast %scan3A_13 : f32 to vector<16xf32>
      %add3A_1067 = arith.addf %mul3A_1065, %add3A_1066 : vector<16xf32>
      %mul3A_1068 = arith.mulf %add3A_1067, %mul3A_1063 : vector<16xf32>
      %add3A_1069 = vector.broadcast %scan3A_14 : f32 to vector<16xf32>
      %add3A_1070 = arith.addf %mul3A_1068, %add3A_1069 : vector<16xf32>
      %mul3A_1071 = arith.mulf %add3A_1070, %mul3A_1063 : vector<16xf32>
      %add3A_1072 = vector.broadcast %scan3A_15 : f32 to vector<16xf32>
      %add3A_1073 = arith.addf %mul3A_1071, %add3A_1072 : vector<16xf32>
      %add3A_1074 = vector.broadcast %scan3A_16 : f32 to vector<16xf32>
      %add3A_1075 = arith.addf %add3A_1074, %add3A_1073 : vector<16xf32>
      %sub3A_1076 = arith.subf %div3A_1059, %add3A_1075 : vector<16xf32>
      %mul3A_1077 = arith.mulf %convert_element_type3A_1019, %sub3A_1076 : vector<16xf32>
      %sub3A_1078 = arith.subf %sub3A_1012, %mul3A_1077 : vector<16xf32>
      scf.yield %sub3A_1078 : vector<16xf32>
    }
    %scan3A_22 = arith.constant 8 : i32
    %swap3A = arith.constant 0 : index
    %swap3A_23 = tpu.vector_load %arg9[%swap3A] {strides = array<i32>} : memref<16xf32, #tpu.memory_space<vmem>>, vector<16xf32>,
    tpu.vector_store %arg9[%swap3A], %scan3A_21 {strides = array<i32>} : memref<16xf32, #tpu.memory_space<vmem>>, vector<16xf32>,
    "tpu.region"() ({
      %run_scoped3A = tpu.sem_alloc : memref<!tpu.dma_semaphore, #tpu.memory_space<semaphore_mem>>
      %dma_start3A_24 = arith.constant 0 : i32
      %dma_start3A_25 = tpu.memref_slice %arg5[%add3A, %dma_start3A_24] : memref<32x16xf32, #tpu.memory_space<hbm>> -> memref<1x16xf32, #tpu.memory_space<hbm>>
      %dma_start3A_26 = tpu.memref_squeeze %dma_start3A_25 : memref<1x16xf32, #tpu.memory_space<hbm>> -> memref<16xf32, #tpu.memory_space<hbm>>
      %dma_start3A_27 = arith.constant 0 : i32
      %dma_start3A_28 = tpu.memref_slice %arg5[%add3A, %dma_start3A_27] : memref<32x16xf32, #tpu.memory_space<hbm>> -> memref<1x16xf32, #tpu.memory_space<hbm>>
      %dma_start3A_29 = tpu.memref_squeeze %dma_start3A_28 : memref<1x16xf32, #tpu.memory_space<hbm>> -> memref<16xf32, #tpu.memory_space<hbm>>
      tpu.enqueue_dma source(%arg9 : memref<16xf32, #tpu.memory_space<vmem>>) target(%dma_start3A_29 : memref<16xf32, #tpu.memory_space<hbm>>) target_semaphore(%run_scoped3A : memref<!tpu.dma_semaphore, #tpu.memory_space<semaphore_mem>>)
      %dma_wait3A_30 = arith.constant 0 : i32
      %dma_wait3A_31 = tpu.memref_slice %arg5[%add3A, %dma_wait3A_30] : memref<32x16xf32, #tpu.memory_space<hbm>> -> memref<1x16xf32, #tpu.memory_space<hbm>>
      %dma_wait3A_32 = tpu.memref_squeeze %dma_wait3A_31 : memref<1x16xf32, #tpu.memory_space<hbm>> -> memref<16xf32, #tpu.memory_space<hbm>>
      %dma_wait3A_33 = arith.constant 0 : i32
      %dma_wait3A_34 = tpu.memref_slice %arg5[%add3A, %dma_wait3A_33] : memref<32x16xf32, #tpu.memory_space<hbm>> -> memref<1x16xf32, #tpu.memory_space<hbm>>
      %dma_wait3A_35 = tpu.memref_squeeze %dma_wait3A_34 : memref<1x16xf32, #tpu.memory_space<hbm>> -> memref<16xf32, #tpu.memory_space<hbm>>
      tpu.wait_dma2 semaphore(%run_scoped3A : memref<!tpu.dma_semaphore, #tpu.memory_space<semaphore_mem>>) src(%arg9 : memref<16xf32, #tpu.memory_space<vmem>>) dst(%dma_wait3A_35 : memref<16xf32, #tpu.memory_space<hbm>>)
      tpu.yield
    }) : () -> ()
    return
  }
}

module attributes {stable_mosaic.version = 14 : i64} {
  func.func @_dlogit_kernel(%arg0: i32, %arg1: memref<512x768xf32, #tpu.memory_space<vmem>>, %arg2: memref<512x768xbf16, #tpu.memory_space<vmem>>, %arg3: memref<512x2xf32, #tpu.memory_space<vmem>>, %arg4: memref<512x256xi32, #tpu.memory_space<vmem>>) attributes {dimension_semantics = [#tpu.dimension_semantics<arbitrary>], iteration_bounds = array<i64: 8>, scalar_prefetch = 0 : i64, scratch_operands = 0 : i64, tpu.core_type = #tpu.core_type<tc>, window_params = [{transform_indices = @transform_0, window_bounds = array<i64: 512, 768>}, {transform_indices = @transform_1, window_bounds = array<i64: 512, 768>}, {transform_indices = @transform_2, window_bounds = array<i64: 512, 2>}, {transform_indices = @transform_3, window_bounds = array<i64: 512, 256>}]} {
    %get3A = arith.constant 0 : index
    %get3A_0 = arith.constant 1 : index
    %get3A_1 = vector.load %arg3[%get3A, %get3A_0] : memref<512x2xf32, #tpu.memory_space<vmem>>, vector<512x1xf32>
    %get3A_2 = vector.shape_cast %get3A_1 : vector<512x1xf32> to vector<512xf32>
    %get3A_3 = arith.constant 0 : index
    %get3A_4 = arith.constant 0 : index
    %get3A_5 = vector.load %arg3[%get3A_3, %get3A_4] : memref<512x2xf32, #tpu.memory_space<vmem>>, vector<512x1xf32>
    %get3A_6 = vector.shape_cast %get3A_5 : vector<512x1xf32> to vector<512xf32>
    %sub3A = arith.subf %get3A_2, %get3A_6 : vector<512xf32>
    %get3A_7 = arith.constant 0 : index
    %get3A_8 = arith.constant 0 : index
    %get3A_9 = vector.load %arg1[%get3A_7, %get3A_8] : memref<512x768xf32, #tpu.memory_space<vmem>>, vector<512x768xf32>
    %convert_element_type3A = arith.truncf %get3A_9 : vector<512x768xf32> to vector<512x768xbf16>
    %get3A_10 = arith.constant 0 : index
    %get3A_11 = arith.constant 0 : index
    %get3A_12 = vector.load %arg2[%get3A_10, %get3A_11] : memref<512x768xbf16, #tpu.memory_space<vmem>>, vector<512x768xbf16>
    %dot_general3A = arith.constant dense<0.000000e+00> : vector<512x512xf32>
    %dot_general3A_13 = tpu.matmul %convert_element_type3A, %get3A_12, %dot_general3A {dimension_numbers = #tpu.dot_dimension_numbers<[1], [1], [0], [0], [0, 0, 1, 0], [], []>, transpose_lhs_hint = false} : vector<512x768xbf16>, vector<512x768xbf16>, vector<512x512xf32> -> vector<512x512xf32>
    %broadcast_in_dim3A = vector.shape_cast %sub3A : vector<512xf32> to vector<1x512xf32>
    %add3A = vector.broadcast %broadcast_in_dim3A : vector<1x512xf32> to vector<512x512xf32>
    %add3A_14 = arith.addf %dot_general3A_13, %add3A : vector<512x512xf32>
    %slice3A = vector.extract_strided_slice %add3A_14 {offsets = [0, 0], sizes = [512, 256], strides = [1, 1]} : vector<512x512xf32> to vector<512x256xf32>
    %bitcast_convert_type3A = tpu.bitcast %slice3A : vector<512x256xf32> -> vector<512x256xi32>
    %slice3A_15 = vector.extract_strided_slice %add3A_14 {offsets = [0, 256], sizes = [512, 256], strides = [1, 1]} : vector<512x512xf32> to vector<512x256xf32>
    %bitcast_convert_type3A_16 = tpu.bitcast %slice3A_15 : vector<512x256xf32> -> vector<512x256xi32>
    %add3A_17 = arith.constant 32767 : i32
    %add3A_18 = vector.broadcast %add3A_17 : i32 to vector<512x256xi32>
    %add3A_19 = arith.addi %bitcast_convert_type3A, %add3A_18 : vector<512x256xi32>
    %shift_right_arithmetic3A = arith.constant 16 : i32
    %shift_right_arithmetic3A_20 = vector.broadcast %shift_right_arithmetic3A : i32 to vector<512x256xi32>
    %shift_right_arithmetic3A_21 = arith.shrsi %bitcast_convert_type3A, %shift_right_arithmetic3A_20 : vector<512x256xi32>
    %and3A = arith.constant 1 : i32
    %and3A_22 = vector.broadcast %and3A : i32 to vector<512x256xi32>
    %and3A_23 = arith.andi %shift_right_arithmetic3A_21, %and3A_22 : vector<512x256xi32>
    %add3A_24 = arith.addi %add3A_19, %and3A_23 : vector<512x256xi32>
    %shift_right_arithmetic3A_25 = arith.constant 16 : i32
    %shift_right_arithmetic3A_26 = vector.broadcast %shift_right_arithmetic3A_25 : i32 to vector<512x256xi32>
    %shift_right_arithmetic3A_27 = arith.shrsi %add3A_24, %shift_right_arithmetic3A_26 : vector<512x256xi32>
    %and3A_28 = arith.constant 65535 : i32
    %and3A_29 = vector.broadcast %and3A_28 : i32 to vector<512x256xi32>
    %and3A_30 = arith.andi %shift_right_arithmetic3A_27, %and3A_29 : vector<512x256xi32>
    %add3A_31 = arith.constant 32767 : i32
    %add3A_32 = vector.broadcast %add3A_31 : i32 to vector<512x256xi32>
    %add3A_33 = arith.addi %bitcast_convert_type3A_16, %add3A_32 : vector<512x256xi32>
    %shift_right_arithmetic3A_34 = arith.constant 16 : i32
    %shift_right_arithmetic3A_35 = vector.broadcast %shift_right_arithmetic3A_34 : i32 to vector<512x256xi32>
    %shift_right_arithmetic3A_36 = arith.shrsi %bitcast_convert_type3A_16, %shift_right_arithmetic3A_35 : vector<512x256xi32>
    %and3A_37 = arith.constant 1 : i32
    %and3A_38 = vector.broadcast %and3A_37 : i32 to vector<512x256xi32>
    %and3A_39 = arith.andi %shift_right_arithmetic3A_36, %and3A_38 : vector<512x256xi32>
    %add3A_40 = arith.addi %add3A_33, %and3A_39 : vector<512x256xi32>
    %shift_right_arithmetic3A_41 = arith.constant 16 : i32
    %shift_right_arithmetic3A_42 = vector.broadcast %shift_right_arithmetic3A_41 : i32 to vector<512x256xi32>
    %shift_right_arithmetic3A_43 = arith.shrsi %add3A_40, %shift_right_arithmetic3A_42 : vector<512x256xi32>
    %and3A_44 = arith.constant 65535 : i32
    %and3A_45 = vector.broadcast %and3A_44 : i32 to vector<512x256xi32>
    %and3A_46 = arith.andi %shift_right_arithmetic3A_43, %and3A_45 : vector<512x256xi32>
    %shift_left3A = arith.constant 16 : i32
    %shift_left3A_47 = vector.broadcast %shift_left3A : i32 to vector<512x256xi32>
    %shift_left3A_48 = arith.shli %and3A_46, %shift_left3A_47 : vector<512x256xi32>
    %or3A = arith.ori %and3A_30, %shift_left3A_48 : vector<512x256xi32>
    %swap3A = arith.constant 0 : index
    %swap3A_49 = arith.constant 0 : index
    %swap3A_50 = vector.load %arg4[%swap3A, %swap3A_49] : memref<512x256xi32, #tpu.memory_space<vmem>>, vector<512x256xi32>
    tpu.vector_store %arg4[%swap3A, %swap3A_49], %or3A {strides = array<i32>} : memref<512x256xi32, #tpu.memory_space<vmem>>, vector<512x256xi32>,
    return
  }
  func.func @transform_0(%arg0: i32) -> (i32, i32) {
    %c0_i32 = arith.constant 0 : i32
    %c0_i32_0 = arith.constant 0 : i32
    return %arg0, %c0_i32 : i32, i32
  }
  func.func @transform_1(%arg0: i32) -> (i32, i32) {
    %c0_i32 = arith.constant 0 : i32
    %c0_i32_0 = arith.constant 0 : i32
    %c0_i32_1 = arith.constant 0 : i32
    return %c0_i32, %c0_i32_0 : i32, i32
  }
  func.func @transform_2(%arg0: i32) -> (i32, i32) {
    %c0_i32 = arith.constant 0 : i32
    %c0_i32_0 = arith.constant 0 : i32
    %c0_i32_1 = arith.constant 0 : i32
    return %c0_i32, %c0_i32_0 : i32, i32
  }
  func.func @transform_3(%arg0: i32) -> (i32, i32) {
    %c0_i32 = arith.constant 0 : i32
    %c0_i32_0 = arith.constant 0 : i32
    return %arg0, %c0_i32 : i32, i32
  }
}

</mosaic_0001>

<sc_bundles>
// kernel: kernel.4.cloned.1.call-start
scs
__scs_entry_jumppad:
0x0: {  	(pc) =	sbr.rel $0x88, $3  }
0x1: {  	(tag) =	ssettag $0x0;
	lr =	simm.s32 $0x1  }
0x2: {  	[smem:$0x3F9A] =	sst lr;
	_ =	strace $0xD0000000  }
0x3: {  	_ = 	snop  }
0x4: {  	_ = 	snop  }
0x5: {  	_ = 	snop  }
0x6: {  	_ = 	snop  }
0x7: {  	_ = 	snop  }
__scs_overlays_trampoline_lowered:
0x8: {  	[smem:$0x3FA9] =	sst s0  }
0x9: {  	[smem:$0x3FAA] =	sst s1  }
0xa: {  	[smem:$0x3FAB] =	sst s2  }
0xb: {  	[smem:$0x3FAC] =	sst s3  }
0xc: {  	[smem:$0x3FAD] =	sst s4  }
0xd: {  	[smem:$0x3FAE] =	sst s5  }
0xe: {  	[smem:$0x3FAF] =	sst s6  }
0xf: {  	[smem:$0x3FB0] =	sst s7  }
0x10: {  	[smem:$0x3FB1] =	sst s8  }
0x11: {  	[smem:$0x3FB2] =	sst s9;
	s0 =	simm.s32 @!p0 $0x0  }
0x12: {  	s1 =	sld [smem:$0x3F98];
	s0 =	simm.s32 @p0 $0x1  }
0x13: {  	[smem:$0x3FB3] =	sst s0;
	s0 =	simm.s32 @!p1 $0x0  }
0x14: {  	s2 =	sld [smem:$0x3F97];
	s0 =	simm.s32 @p1 $0x1  }
0x15: {  	[smem:$0x3FB4] =	sst s0;
	s0 =	simm.s32 @!p2 $0x0  }
0x16: {  	s3 =	sld [smem:$0x3FDB];
	s0 =	simm.s32 @p2 $0x1  }
0x17: {  	s4 =	simm.s32 $0x1BF5;
	[smem:$0x3FB6] =	sst s0  }
0x18: {  	s0 =	sld [smem:$0x3F99];
	_ =	swait.ge [sflag:s4], $0x0  }
0x19: {  	s7 =	sld [smem:$0x3F9A]  }
0x1a: {  	s8 =	sadd.s32 $0xFFFFE003, lr  }
0x1b: {  	s9 =	sadd.s32 $0xFFFFFEF7, lr;
	s5 =	simm.s32 $0xFFFFFFFF;
	p2 =	slt.u32 s8, $0xFFFFF086  }
0x1c: {  	p1 =	slt.u32 s9, $0xF7A;
	s5 =	simm.s32 @!p2 $0x0  }
0x1d: {  	s5 =	simm.s32 @p1 $0x1;
	p0 =	seq.s32 s7, s2  }
0x1e: {  	s7 =	smul.u32 @!p0 $0xF7A, s2;
	p2 =	seq.s32 @!p0 s5, $0x0  }
0x1f: {  	s9 =	smul.u32 $0xF7A, s1;
	s8 =	simm.s32 @!p0 $0x1BF5;
	p2 =	por !p2, p0  }
0x20: {  	[sflag:s8] =	ssyncset.s32 @!p0 $0xFFFFF086;
	s6 =	sadd.s32 @!p0 s3, s7;
	s7 =	simm.s32 @!p0 $0x108  }
0x21: {  	s3 =	sadd.s32 s3, s9;
	s6 =	sadd.s32 @!p0 $0x88, s6;
	s7 =	simm.s32 @p2 $0x1082  }
0x22: {  	[simem:s7], [sflag:s8] =	dma.local @!p0 [hbm:s6], $0xF7A  }
0x23: {  	s9 =	sor.u32 $0xD0000000, s2;
	s6 =	simm.s32 $0x108;
	_ =	swait.ge @!p0 [sflag:s8], $0x0  }
0x24: {  	s3 =	sadd.s32 $0x88, s3;
	s6 =	simm.s32 @!p1 $0x1082;
	[sflag:s4] =	ssyncset.s32 $0xFFFFF086  }
0x25: {  	[simem:s6], [sflag:s4] =	dma.local [hbm:s3], $0xF7A  }
0x26: {  	[smem:$0x3F9A] =	sst s1;
	(tag) =	ssettag s2;
	_ =	strace s9  }
0x27: {  	s1 =	sld [smem:$0x3FAA]  }
0x28: {  	s2 =	sld [smem:$0x3FAB]  }
0x29: {  	s4 =	sld [smem:$0x3FAD]  }
0x2a: {  	p0 =	seq.s32 s5, $0x0;
	s5 =	sld [smem:$0x3FAE]  }
0x2b: {  	s6 =	sld [smem:$0x3FAF]  }
0x2c: {  	s7 =	sld [smem:$0x3FB0]  }
0x2d: {  	s3 =	simm.s32 $0x108;
	s8 =	sld [smem:$0x3FB1]  }
0x2e: {  	s3 =	simm.s32 @!p0 $0x1082;
	s9 =	sld [smem:$0x3FB2]  }
0x2f: {  	lr =	sadd.s32 s0, s3;
	s0 =	sld [smem:$0x3FA9]  }
0x30: {  	s3 =	sld [smem:$0x3FAC]  }
0x31: {  	[smem:$0x3FB5] =	sst s10  }
0x32: {  	s10 =	sld [smem:$0x3FB3];
	_ =	sdelay $0x3  }
0x33: {  	p0 =	seq.s32 s10, $0x1;
	s10 =	sld [smem:$0x3FB5];
	_ =	sdelay $0x3  }
0x34: {  	[smem:$0x3FB5] =	sst s10  }
0x35: {  	s10 =	sld [smem:$0x3FB4];
	_ =	sdelay $0x3  }
0x36: {  	p1 =	seq.s32 s10, $0x1;
	s10 =	sld [smem:$0x3FB5];
	_ =	sdelay $0x3  }
0x37: {  	[smem:$0x3FB5] =	sst s10  }
0x38: {  	s10 =	sld [smem:$0x3FB6]  }
0x39: {  	_ = 	snop;
	(pc) =	sbr.ind lr, $3  }
0x3a: {  	_ = 	snop  }
0x3b: {  	_ = 	snop  }
0x3c: {  	p2 =	seq.s32 s10, $0x1;
	s10 =	sld [smem:$0x3FB5]  }
0x3d: {  	_ =	shalt  }
0x3e: {  	_ =	shalt  }
0x3f: {  	_ =	shalt  }
0x40: {  	_ =	shalt  }
0x41: {  	_ =	shalt  }
0x42: {  	_ =	shalt  }
0x43: {  	_ =	shalt  }
0x44: {  	_ =	shalt  }
0x45: {  	_ =	shalt  }
0x46: {  	_ =	shalt  }
0x47: {  	_ =	shalt  }
0x48: {  	_ =	shalt  }
0x49: {  	_ =	shalt  }
0x4a: {  	_ =	shalt  }
0x4b: {  	_ =	shalt  }
0x4c: {  	_ =	shalt  }
0x4d: {  	_ =	shalt  }
0x4e: {  	_ =	shalt  }
0x4f: {  	_ =	shalt  }
0x50: {  	_ =	shalt  }
0x51: {  	_ =	shalt  }
0x52: {  	_ =	shalt  }
0x53: {  	_ =	shalt  }
0x54: {  	_ =	shalt  }
0x55: {  	_ =	shalt  }
0x56: {  	_ =	shalt  }
0x57: {  	_ =	shalt  }
0x58: {  	_ =	shalt  }
0x59: {  	_ =	shalt  }
0x5a: {  	_ =	shalt  }
0x5b: {  	_ =	shalt  }
0x5c: {  	_ =	shalt  }
0x5d: {  	_ =	shalt  }
0x5e: {  	_ =	shalt  }
0x5f: {  	_ =	shalt  }
0x60: {  	_ =	shalt  }
0x61: {  	_ =	shalt  }
0x62: {  	_ =	shalt  }
0x63: {  	_ =	shalt  }
0x64: {  	_ =	shalt  }
0x65: {  	_ =	shalt  }
0x66: {  	_ =	shalt  }
0x67: {  	_ =	shalt  }
0x68: {  	_ =	shalt  }
0x69: {  	_ =	shalt  }
0x6a: {  	_ =	shalt  }
0x6b: {  	_ =	shalt  }
0x6c: {  	_ =	shalt  }
0x6d: {  	_ =	shalt  }
0x6e: {  	_ =	shalt  }
0x6f: {  	_ =	shalt  }
0x70: {  	_ =	shalt  }
0x71: {  	_ =	shalt  }
0x72: {  	_ =	shalt  }
0x73: {  	_ =	shalt  }
0x74: {  	_ =	shalt  }
0x75: {  	_ =	shalt  }
0x76: {  	_ =	shalt  }
0x77: {  	_ =	shalt  }
0x78: {  	_ =	shalt  }
0x79: {  	_ =	shalt  }
0x7a: {  	_ =	shalt  }
0x7b: {  	_ =	shalt  }
0x7c: {  	_ =	shalt  }
0x7d: {  	_ =	shalt  }
0x7e: {  	_ =	shalt  }
0x7f: {  	_ =	shalt  }
0x80: {  	_ =	shalt  }
0x81: {  	_ =	shalt  }
0x82: {  	_ =	shalt  }
0x83: {  	_ =	shalt  }
0x84: {  	_ =	shalt  }
0x85: {  	_ =	shalt  }
0x86: {  	_ =	shalt  }
0x87: {  	_ =	shalt  }
.Lfunc_end0:
.L_simem_size_0:
called_computation_lowered:
.L_overlay_start_0:
0x88: {  	s2 =	sld [smem:$0x3FD9]  }
0x89: {  	s3 =	sld [smem:$0x3FFE];
	_ =	sdelay $0x1  }
0x8a: {  	s1 =	srdreg.scid  }
0x8b: {  	s0 =	sand.u32 $0x1, s1  }
0x8c: {  	s16 =	sshll.u32 s0, $0xA;
	s2 =	sadd.s32 s3, s2  }
0x8d: {  	s2 =	sadd.s32 s2, s16  }
0x8e: {  	[smem:$0x3FC1] =	sst s2  }
0x8f: {  	_ = 	snop  }
0x90: {  	(tm) =	ssettm $0x1  }
0x91: {  	s17 =	sld [smem:$0x3FFB];
	_ =	sdelay $0x3  }
0x92: {  	_ =	strace s17  }
0x93: {  	s2 =	sld [smem:$0x3FFC];
	_ =	sdelay $0x3  }
0x94: {  	_ =	strace s2  }
0x95: {  	s2 =	sld [smem:$0x3FFD];
	_ =	sdelay $0x3  }
0x96: {  	_ =	strace s2  }
0x97: {  	_ =	strace $0x8FFFFFFF  }
0x98: {  	s18 =	sld [smem:$0x3FDB];
	_ =	sdelay $0x1  }
0x99: {  	s19 =	simm.s32 $_scs_section_size  }
0x9a: {  	s4 =	simm.s32 $_size__tile_overlayer_lowered;
	s5 =	simm.s32 $_tile_overlayer_lowered  }
0x9b: {  	s22 =	simm.s32 $0x1BFF;
	s21 =	sshll.u32 s5, $0x1;
	s2 =	sadd.s32 s19, s18  }
0x9c: {  	s6 =	simm.s32 $0x0;
	s20 =	sshll.u32 s4, $0x1;
	s4 =	sadd.s32 s21, s2  }
0x9d: {  	[timem:s6], [sflag:s22] =	dma.local [hbm:s4], s20  }
0x9e: {  	_ =	swait.ge [sflag:s22], s20  }
0x9f: {  	s3 =	ssub.s32 $0x0, s20;
	[sflag:s22] =	ssyncset.done $0x0  }
0xa0: {  	[sflag:s22] =	ssyncadd.s32 s3;
	_ =	sdelay $0x1  }
0xa1: {  	s23 =	simm.s32 $0x1B8B  }
0xa2: {  	_ =	swait.ge [sflag:s23], $0x1  }
0xa3: {  	[sflag:s23] =	ssyncset.done $0x0  }
0xa4: {  	s25 =	simm.s32 $0x1B8E;
	s24 =	sld [smem:$0x3FFE];
	[sflag:s23] =	ssyncadd.s32 $0xFFFFFFFF  }
0xa5: {  	s26 =	simm.s32 $execute0_lowered;
	[smem:$0x3FD2] =	sst s25  }
0xa6: {  	s4 =	sshll.u32 s26, $0x1;
	_ =	strace $0x80000046;
	[dreg:$0x1] =	wrdreg $0xFFFFFFFF  }
0xa7: {  	s28 =	simm.s32 $_size_execute0_lowered;
	s2 =	sadd.s32 s2, s4;
	[dreg:$0x0] =	wrdreg $0x0  }
0xa8: {  	s4 =	sshll.u32 s28, $0x1;
	[dreg:$0x2] =	wrdreg s2  }
0xa9: {  	[dreg:$0x3] =	wrdreg s4  }
0xaa: {  	[dreg:$0x4] =	wrdreg $0xC0  }
0xab: {  	_ =	task [dreg:s6], $0x5FFFF  }
0xac: {  	[dreg:$0x1] =	wrdreg $0xFFFFFFFF  }
0xad: {  	[dreg:$0x0] =	wrdreg $0x60  }
0xae: {  	[dreg:$0x2] =	wrdreg s24  }
0xaf: {  	[dreg:$0x3] =	wrdreg $0x9  }
0xb0: {  	_ =	task.clear_ibuf [dreg:s6], $0x4FFFF;
	_ =	strace $0x90000046  }
0xb1: {  	s29 =	simm.s32 $0x9;
	_ =	strace $0x80000048  }
0xb2: {  	_ =	swait.ge [sflag:s29], $0x1  }
0xb3: {  	[sflag:s29] =	ssyncadd.s32 $0xFFFFFFFF  }
0xb4: {  	_ =	strace $0x90000048  }
0xb5: {  	_ =	sfence  }
0xb6: {  	s30 =	sld [smem:$0x0];
	_ =	sdelay $0x2  }
0xb7: {  	s31 =	sshll.u32 s1, $0xD;
	s1 =	sshrl.u32 s1, $0x2  }
0xb8: {  	s3 =	sand.u32 $0x4000, s31;
	s1 =	sadd.s32 s1, s30  }
0xb9: {  	s0 =	sor.u32 s3, s0;
	s1 =	sshll.u32 s1, $0x11  }
0xba: {  	s0 =	sor.u32 s1, s0  }
0xbb: {  	s0 =	sadd.s32 $0x8F2B, s0  }
0xbc: {  	[sflag:s0] =	ssyncadd.remote.s32 $0x1  }
0xbd: {  	_ =	sfence.sel $0xFFFF  }
0xbe: {  	[dreg:$0x0] =	wrdreg $0xFFFFFFFF;
	(pc) =	sbr.abs _section_cstart, $3  }
0xbf: {  	[dreg:$0x1] =	wrdreg $0xFFFFFFFF  }
0xc0: {  	_ =	task.clear_ibuf [dreg:s6], $0x2FFFF;
	_ =	strace $0x9FFFFFFF  }
0xc1: {  	(tm) =	ssettm $0x7FFFFFFF  }
tec
execute0_lowered:
.L_overlay_start_1:
0x0: {  	(tag) =	ssettag $0x1  }
0x1: {  	s1 =	srdreg.scid  }
0x2: {  	s0 =	stileid.u32;
	s4 =	rddreg [dreg:$0x0];
	s2 =	simm.s32 $0x0  }
0x3: {  	s10 =	simm.s32 $0x8080;
	s11 =	simm.s32 $0x1;
	s12 =	simm.s32 $0x18080  }
0x4: {  	s3 =	sand.u32 $0x1, s1;
	s5 =	sshll.u32 s0, $0x1;
	s1 =	rddreg [dreg:$0x1]  }
0x5: {  	s13 =	simm.s32 $0x0;
	[smem:$0x7FF] =	sst s2;
	s5 =	sor.u32 s3, s5  }
0x6: {  	v0 =	vlaneseq.u32;
	_ =	strace $0x80000047;
	s7 =	ssub.s32 $0x2, s3;
	s3 =	sadd.s32 $0x1000, s4  }
0x7: {  	v1 =	vand.u32 $0x7, v0;
	v40 =	vmul.u32 $0x100, v0;
	s6 =	sshll.u32 s5, $0xC;
	s5 =	sshll.u32 s5, $0x4;
	s8 =	sshrl.u32 s7, $0x1  }
0x8: {  	v41 =	vmul.u32 $0x80, v1;
	s6 =	sadd.s32 s6, s4;
	s9 =	sadd.s32 s5, s4;
	s7 =	ssub.s32 s7, s8  }
0x9: {  	[tilespmem:$0x1FFE0] =	vst v40;
	s8 =	simm.s32 $0x80;
	s4 =	sadd.s32 $0x3000, s6;
	s5 =	sadd.s32 $0xE00, s9  }
0xa: {  	[tilespmem:$0x1FFF0] =	vst v41;
	s6 =	sadd.s32 $0x23000, s9;
	s7 =	smax.u32 s7, $0x1;
	s9 =	simm.s32 $0x2  }
.LBB2_1:
0xb: {  	[tilespmem:s8], [sflag:$0x1] =	stream.linear.gather [hbm4b:s4+s2], $0x8000, $0x38;
	[tilespmem:$0x18100] =	vst v63  }
0xc: {  	_ = 	snop  }
0xd: {  	[tilespmem:s2], [sflag:$0x2] =	stream.linear.gather [hbm4b:s5+s2], $0x80, $0x38;
	[tilespmem:$0x18100] =	vst v63  }
0xe: {  	_ =	swait.ge [sflag:s9], $0x80  }
0xf: {  	[sflag:s9] =	ssyncset.done $0x0  }
0x10: {  	[sflag:s9] =	ssyncadd.s32 $0xFFFFFF80  }
0x11: {  	[tilespmem:s10], [sflag:$0x2] =	stream.linear.gather [hbm4b:s3+s2], $0x10000, $0x38;
	[tilespmem:$0x18100] =	vst v63  }
0x12: {  	_ =	swait.ge [sflag:s9], $0x10000  }
0x13: {  	[sflag:s9] =	ssyncset.done $0x0  }
0x14: {  	[sflag:s9] =	ssyncadd.s32 $0xFFFF0000  }
0x15: {  	_ =	swait.ge [sflag:s11], $0x8000  }
0x16: {  	[sflag:s11] =	ssyncset.done $0x0  }
0x17: {  	[sflag:s11] =	ssyncadd.s32 $0xFFFF8000  }
0x18: {  	v2 =	vld [tilespmem:s2+$0x0];
	_ =	sdelay $0x4  }
0x19: {  	v14 =	vshll.u32 v2, $0x7  }
0x1a: {  	v2 =	vor.u32 $0xF, v14  }
0x1b: {  	v3 =	vor.u32 $0xE, v14  }
0x1c: {  	v4 =	vor.u32 $0xD, v14  }
0x1d: {  	v5 =	vor.u32 $0xC, v14  }
0x1e: {  	v6 =	vor.u32 $0xB, v14;
	v50 =	vld.idx.msk [tilespmem:v14+s10+$0x0], $0xffff  }
0x1f: {  	v7 =	vor.u32 $0xA, v14;
	v0 =	vld.idx.msk [tilespmem:v2+s10+$0x0], $0xffff  }
0x20: {  	v8 =	vor.u32 $0x9, v14;
	v1 =	vld.idx.msk [tilespmem:v3+s10+$0x0], $0xffff  }
0x21: {  	v9 =	vor.u32 $0x8, v14;
	v2 =	vld.idx.msk [tilespmem:v4+s10+$0x0], $0xffff  }
0x22: {  	v10 =	vor.u32 $0x7, v14;
	v42 =	vld.idx.msk [tilespmem:v5+s10+$0x0], $0xffff  }
0x23: {  	v11 =	vor.u32 $0x6, v14;
	v43 =	vld.idx.msk [tilespmem:v6+s10+$0x0], $0xffff  }
0x24: {  	v12 =	vor.u32 $0x5, v14;
	v44 =	vld.idx.msk [tilespmem:v7+s10+$0x0], $0xffff  }
0x25: {  	v16 =	vor.u32 $0x4, v14;
	v45 =	vld.idx.msk [tilespmem:v8+s10+$0x0], $0xffff  }
0x26: {  	v15 =	vmov s2;
	v17 =	vor.u32 $0x2, v14;
	v46 =	vld.idx.msk [tilespmem:v9+s10+$0x0], $0xffff  }
0x27: {  	v15 =	vshll.u32 v15, $0x8;
	v19 =	vor.u32 $0x3, v14;
	v47 =	vld.idx.msk [tilespmem:v10+s10+$0x0], $0xffff  }
0x28: {  	v15 =	vor.u32 v40, v15;
	v21 =	vor.u32 $0x1, v14;
	v48 =	vld.idx.msk [tilespmem:v11+s10+$0x0], $0xffff  }
0x29: {  	v15 =	vand.u32 $0x7800, v15;
	v49 =	vld.idx.msk [tilespmem:v12+s10+$0x0], $0xffff  }
0x2a: {  	v20 =	vor.u32 v41, v15;
	v51 =	vld.idx.msk [tilespmem:v16+s10+$0x0], $0xffff  }
0x2b: {  	v17 =	vld.idx.msk [tilespmem:v17+s10+$0x0], $0xffff;
	v18 =	vshrl.u32 v50, $0x1;
	v15 =	vshra.s32 v50, $0x6;
	v22 =	vshra.s32 v50, $0x2  }
0x2c: {  	v52 =	vld.idx.msk [tilespmem:v19+s10+$0x0], $0xffff;
	v23 =	vshra.s32 v1, $0x6;
	v24 =	vshra.s32 v0, $0x2;
	v25 =	vshra.s32 v1, $0x2  }
0x2d: {  	v58 =	vld.idx.msk [tilespmem:v21+s10+$0x0], $0xffff;
	v19 =	vshra.s32 v2, $0x2;
	v26 =	vshra.s32 v42, $0x2;
	v27 =	vshra.s32 v43, $0x2  }
0x2e: {  	v28 =	vshra.s32 v44, $0x2;
	v29 =	vshra.s32 v45, $0x2;
	v30 =	vshra.s32 v46, $0x2  }
0x2f: {  	v31 =	vand.u32 $0xFFFFFFF0, v15;
	v15 =	vshra.s32 v47, $0x2;
	v32 =	vshra.s32 v48, $0x2  }
0x30: {  	v33 =	vshra.s32 v51, $0x2;
	v34 =	vshra.s32 v49, $0x2;
	v35 =	vshll.u32 v22, $0x3  }
0x31: {  	v22 =	vand.u32 $0x7F, v22;
	v36 =	vshra.s32 v17, $0x2;
	v37 =	vshra.s32 v52, $0x2  }
0x32: {  	v61 =	vshra.s32 v58, $0x2;
	v4 =	vshrl.u32 v0, $0x1;
	v5 =	vshra.s32 v0, $0x6  }
0x33: {  	v6 =	vshra.s32 v2, $0x6;
	v7 =	vshra.s32 v44, $0x6;
	v8 =	vshra.s32 v47, $0x6  }
0x34: {  	v9 =	vshra.s32 v52, $0x6;
	v10 =	vshra.s32 v17, $0x6;
	v11 =	vshrl.u32 v1, $0x1  }
0x35: {  	v18 =	vand.u32 $0x1, v18;
	v35 =	vand.u32 $0x400, v35;
	v38 =	vshll.u32 v25, $0x3  }
0x36: {  	v12 =	vand.u32 $0x7F, v24;
	v25 =	vand.u32 $0x7F, v25;
	v24 =	vshll.u32 v24, $0x3  }
0x37: {  	v13 =	vshll.u32 v27, $0x3;
	v27 =	vand.u32 $0x7F, v27;
	v14 =	vshll.u32 v26, $0x3  }
0x38: {  	v53 =	vshll.u32 v19, $0x3;
	v26 =	vand.u32 $0x7F, v26;
	v19 =	vand.u32 $0x7F, v19  }
0x39: {  	v54 =	vand.u32 $0x7F, v28;
	v55 =	vshll.u32 v29, $0x3;
	v28 =	vshll.u32 v28, $0x3  }
0x3a: {  	v29 =	vand.u32 $0x7F, v29;
	v56 =	vshll.u32 v15, $0x3;
	v15 =	vand.u32 $0x7F, v15  }
0x3b: {  	v57 =	vand.u32 $0x7F, v30;
	v30 =	vshll.u32 v30, $0x3;
	v39 =	vand.u32 $0x7F, v32  }
0x3c: {  	v32 =	vshll.u32 v32, $0x3;
	v59 =	vand.u32 $0x7F, v34;
	v34 =	vshll.u32 v34, $0x3  }
0x3d: {  	v60 =	vand.u32 $0x7F, v36;
	v36 =	vshll.u32 v36, $0x3;
	v62 =	vshll.u32 v37, $0x3  }
0x3e: {  	v37 =	vand.u32 $0x7F, v37;
	v63 =	vshll.u32 v61, $0x3;
	v31 =	vsub.s32 $0x10, v31  }
0x3f: {  	v23 =	vand.u32 $0xFFFFFFF0, v23;
	v18 =	vcvt.s32.f32 v18;
	v22 =	vor.u32 v35, v22  }
0x40: {  	v38 =	vand.u32 $0x400, v38;
	v24 =	vand.u32 $0x400, v24;
	v35 =	vand.u32 $0x400, v14  }
0x41: {  	v28 =	vand.u32 $0x400, v28;
	v30 =	vand.u32 $0x400, v30;
	v32 =	vand.u32 $0x400, v32  }
0x42: {  	v34 =	vand.u32 $0x400, v34;
	v36 =	vand.u32 $0x400, v36;
	v23 =	vsub.s32 $0x10, v23  }
0x43: {  	v14 =	vshrl.u32 v44, $0x1;
	v25 =	vor.u32 v38, v25;
	v38 =	vand.u32 $0x400, v13  }
0x44: {  	v24 =	vor.u32 v24, v12;
	v26 =	vor.u32 v35, v26;
	v28 =	vor.u32 v28, v54  }
0x45: {  	v21 =	vor.u32 v30, v57;
	v30 =	vshll.u32 v33, $0x3;
	v33 =	vand.u32 $0x7F, v33  }
0x46: {  	v32 =	vor.u32 v32, v39;
	v22 =	vor.u32 v20, v22;
	v34 =	vor.u32 v34, v59  }
0x47: {  	v35 =	vand.u32 $0x7F, v61;
	v12 =	vshra.s32 v51, $0x6;
	v13 =	vshra.s32 v58, $0x6  }
0x48: {  	v18 =	vadd.f32 v18, v18;
	v27 =	vor.u32 v38, v27;
	v38 =	vand.u32 $0x400, v53  }
0x49: {  	v30 =	vand.u32 $0x400, v30;
	v25 =	vor.u32 v20, v25;
	v24 =	vor.u32 v20, v24  }
0x4a: {  	v26 =	vor.u32 v20, v26;
	v28 =	vor.u32 v20, v28;
	v21 =	vor.u32 v20, v21  }
0x4b: {  	v32 =	vor.u32 v20, v32;
	v34 =	vor.u32 v20, v34;
	v19 =	vor.u32 v38, v19  }
0x4c: {  	v38 =	vand.u32 $0x400, v55;
	v30 =	vor.u32 v30, v33;
	v33 =	vor.u32 v36, v60  }
0x4d: {  	v36 =	vand.u32 $0x400, v62;
	v27 =	vor.u32 v20, v27;
	v18 =	vadd.f32 $-1.000000000e+00, v18  }
0x4e: {  	v29 =	vor.u32 v38, v29;
	v38 =	vand.u32 $0x400, v56;
	v36 =	vor.u32 v36, v37  }
0x4f: {  	v37 =	vand.u32 $0x400, v63;
	v19 =	vor.u32 v20, v19;
	v30 =	vor.u32 v20, v30;
	v22 =	vld.idx.msk [tilespmem:v22+s8+$0x0], $0xffff  }
0x50: {  	v33 =	vor.u32 v20, v33;
	v35 =	vor.u32 v37, v35;
	v37 =	vand.u32 $0x1, v4;
	v25 =	vld.idx.msk [tilespmem:v25+s8+$0x0], $0xffff  }
0x51: {  	v63 =	vimm.f32 $0.0e+00;
	v38 =	vor.u32 v38, v15;
	v37 =	vcvt.s32.f32 v37;
	v24 =	vld.idx.msk [tilespmem:v24+s8+$0x0], $0xffff  }
0x52: {  	v29 =	vor.u32 v20, v29;
	v36 =	vor.u32 v20, v36;
	v38 =	vor.u32 v20, v38  }
0x53: {  	v20 =	vor.u32 v20, v35;
	v35 =	vand.u32 $0xFFFFFFF0, v5;
	v37 =	vadd.f32 v37, v37  }
0x54: {  	v35 =	vsub.s32 $0x10, v35;
	v27 =	vld.idx.msk [tilespmem:v27+s8+$0x0], $0xffff;
	v22 =	vshll.u32 v22, v31;
	v31 =	vshra.s32 v43, $0x6  }
0x55: {  	v19 =	vld.idx.msk [tilespmem:v19+s8+$0x0], $0xffff;
	v37 =	vadd.f32 $-1.000000000e+00, v37;
	v31 =	vand.u32 $0xFFFFFFF0, v31;
	v23 =	vshll.u32 v25, v23  }
0x56: {  	v25 =	vshra.s32 v42, $0x6;
	v24 =	vshll.u32 v24, v35;
	v35 =	vand.u32 $0xFFFFFFF0, v6  }
0x57: {  	v26 =	vld.idx.msk [tilespmem:v26+s8+$0x0], $0xffff;
	v22 =	vand.u32 $0xFFFF0000, v22;
	v31 =	vsub.s32 $0x10, v31;
	v25 =	vand.u32 $0xFFFFFFF0, v25  }
0x58: {  	v35 =	vsub.s32 $0x10, v35;
	v24 =	vand.u32 $0xFFFF0000, v24;
	v18 =	vmul.f32 v22, v18  }
0x59: {  	v22 =	vshrl.u32 v42, $0x1;
	v23 =	vand.u32 $0xFFFF0000, v23;
	v27 =	vshll.u32 v27, v31  }
0x5a: {  	v28 =	vld.idx.msk [tilespmem:v28+s8+$0x0], $0xffff;
	v31 =	vshra.s32 v46, $0x6;
	v25 =	vsub.s32 $0x10, v25;
	v19 =	vshll.u32 v19, v35  }
0x5b: {  	v21 =	vld.idx.msk [tilespmem:v21+s8+$0x0], $0xffff;
	v35 =	vand.u32 $0xFFFFFFF0, v7;
	v24 =	vmul.f32 v24, v37;
	v22 =	vand.u32 $0x1, v22  }
0x5c: {  	v29 =	vld.idx.msk [tilespmem:v29+s8+$0x0], $0xffff;
	v31 =	vand.u32 $0xFFFFFFF0, v31;
	v25 =	vshll.u32 v26, v25;
	v26 =	vshra.s32 v45, $0x6  }
0x5d: {  	v35 =	vsub.s32 $0x10, v35;
	v22 =	vcvt.s32.f32 v22;
	v19 =	vand.u32 $0xFFFF0000, v19  }
0x5e: {  	v32 =	vld.idx.msk [tilespmem:v32+s8+$0x0], $0xffff;
	v61 =	vsub.f32 $0.0e+00, v18;
	v31 =	vsub.s32 $0x10, v31;
	v26 =	vand.u32 $0xFFFFFFF0, v26  }
0x5f: {  	v38 =	vld.idx.msk [tilespmem:v38+s8+$0x0], $0xffff;
	v28 =	vshll.u32 v28, v35;
	v35 =	vand.u32 $0xFFFFFFF0, v8;
	v25 =	vand.u32 $0xFFFF0000, v25  }
0x60: {  	v62 =	vsub.f32 $0.0e+00, v24;
	v21 =	vshll.u32 v21, v31;
	v26 =	vsub.s32 $0x10, v26  }
0x61: {  	v33 =	vld.idx.msk [tilespmem:v33+s8+$0x0], $0xffff;
	v31 =	vshra.s32 v49, $0x6;
	v26 =	vshll.u32 v29, v26;
	v29 =	vshra.s32 v48, $0x6  }
0x62: {  	v34 =	vld.idx.msk [tilespmem:v34+s8+$0x0], $0xffff;
	v35 =	vsub.s32 $0x10, v35;
	v22 =	vadd.f32 v22, v22;
	v29 =	vand.u32 $0xFFFFFFF0, v29  }
0x63: {  	v30 =	vld.idx.msk [tilespmem:v30+s8+$0x0], $0xffff;
	v28 =	vand.u32 $0xFFFF0000, v28;
	v31 =	vand.u32 $0xFFFFFFF0, v31;
	v29 =	vsub.s32 $0x10, v29  }
0x64: {  	v36 =	vld.idx.msk [tilespmem:v36+s8+$0x0], $0xffff;
	v35 =	vshll.u32 v38, v35;
	v29 =	vshll.u32 v32, v29;
	v32 =	vand.u32 $0xFFFFFFF0, v10  }
0x65: {  	v38 =	vand.u32 $0x1, v11;
	v55 =	vand.u32 $0xFFFF0000, v21;
	v32 =	vsub.s32 $0x10, v32  }
0x66: {  	v20 =	vld.idx.msk [tilespmem:v20+s8+$0x0], $0xffff;
	v31 =	vsub.s32 $0x10, v31;
	v32 =	vshll.u32 v33, v32;
	v33 =	vand.u32 $0xFFFFFFF0, v12  }
0x67: {  	v31 =	vshll.u32 v34, v31;
	v34 =	vand.u32 $0xFFFFFFF0, v9;
	v33 =	vsub.s32 $0x10, v33  }
0x68: {  	v34 =	vsub.s32 $0x10, v34;
	v33 =	vshll.u32 v30, v33;
	v30 =	vshrl.u32 v2, $0x1  }
0x69: {  	v34 =	vshll.u32 v36, v34;
	v36 =	vand.u32 $0xFFFFFFF0, v13;
	v30 =	vand.u32 $0x1, v30  }
0x6a: {  	v38 =	vcvt.s32.f32 v38;
	v36 =	vsub.s32 $0x10, v36;
	v30 =	vcvt.s32.f32 v30  }
0x6b: {  	v22 =	vadd.f32 $-1.000000000e+00, v22;
	v36 =	vshll.u32 v20, v36;
	v20 =	vshrl.u32 v43, $0x1  }
0x6c: {  	v26 =	vand.u32 $0xFFFF0000, v26;
	v20 =	vand.u32 $0x1, v20;
	v30 =	vadd.f32 v30, v30  }
0x6d: {  	v35 =	vand.u32 $0xFFFF0000, v35;
	v38 =	vadd.f32 v38, v38;
	v20 =	vcvt.s32.f32 v20  }
0x6e: {  	v22 =	vmul.f32 v25, v22;
	v25 =	vshrl.u32 v48, $0x1;
	v30 =	vadd.f32 $-1.000000000e+00, v30  }
0x6f: {  	v25 =	vand.u32 $0x1, v25;
	v29 =	vand.u32 $0xFFFF0000, v29;
	v20 =	vadd.f32 v20, v20  }
0x70: {  	v38 =	vadd.f32 $-1.000000000e+00, v38;
	v53 =	vmul.f32 v19, v30;
	v19 =	vshrl.u32 v45, $0x1  }
0x71: {  	v25 =	vcvt.s32.f32 v25;
	v20 =	vadd.f32 $-1.000000000e+00, v20;
	v19 =	vand.u32 $0x1, v19  }
0x72: {  	v60 =	vand.u32 $0xFFFF0000, v34;
	v30 =	vcvt.s32.f32 v19;
	v19 =	vand.u32 $0xFFFF0000, v27  }
0x73: {  	v27 =	vand.u32 $0x1, v14;
	v19 =	vmul.f32 v19, v20;
	v20 =	vshrl.u32 v47, $0x1  }
0x74: {  	v27 =	vcvt.s32.f32 v27;
	v30 =	vadd.f32 v30, v30;
	v20 =	vand.u32 $0x1, v20  }
0x75: {  	v38 =	vmul.f32 v23, v38;
	v23 =	vshrl.u32 v46, $0x1;
	v54 =	vcvt.s32.f32 v20  }
0x76: {  	v23 =	vand.u32 $0x1, v23;
	v27 =	vadd.f32 v27, v27;
	v20 =	vadd.f32 $-1.000000000e+00, v30  }
0x77: {  	v25 =	vadd.f32 v25, v25;
	v23 =	vcvt.s32.f32 v23;
	v30 =	vadd.f32 v54, v54  }
0x78: {  	v27 =	vadd.f32 $-1.000000000e+00, v27;
	v20 =	vmul.f32 v26, v20;
	v26 =	vshrl.u32 v49, $0x1  }
0x79: {  	v23 =	vadd.f32 v23, v23;
	v26 =	vand.u32 $0x1, v26;
	v30 =	vadd.f32 $-1.000000000e+00, v30  }
0x7a: {  	v28 =	vmul.f32 v28, v27;
	v27 =	vshrl.u32 v51, $0x1;
	v26 =	vcvt.s32.f32 v26  }
0x7b: {  	v23 =	vadd.f32 $-1.000000000e+00, v23;
	v27 =	vand.u32 $0x1, v27;
	v21 =	vmul.f32 v35, v30  }
0x7c: {  	v30 =	vshrl.u32 v52, $0x1;
	v27 =	vcvt.s32.f32 v27;
	v56 =	vadd.f32 v26, v26  }
0x7d: {  	v26 =	vmul.f32 v55, v23;
	v23 =	vshrl.u32 v17, $0x1;
	v30 =	vand.u32 $0x1, v30  }
0x7e: {  	v57 =	vand.u32 $0x1, v23;
	v30 =	vcvt.s32.f32 v30;
	v23 =	vand.u32 $0xFFFF0000, v31  }
0x7f: {  	v31 =	vshrl.u32 v58, $0x1;
	v27 =	vadd.f32 v27, v27;
	v35 =	vadd.f32 $-1.000000000e+00, v56  }
0x80: {  	[tilespmem:$0x1FFC0] =	vst v58;
	v58 =	vcvt.s32.f32 v57;
	v59 =	vadd.f32 v30, v30;
	v30 =	vand.u32 $0x1, v31  }
0x81: {  	v32 =	vand.u32 $0xFFFF0000, v32;
	v25 =	vadd.f32 $-1.000000000e+00, v25;
	v31 =	vcvt.s32.f32 v30  }
0x82: {  	v27 =	vadd.f32 $-1.000000000e+00, v27;
	v23 =	vmul.f32 v23, v35;
	v35 =	vadd.f32 v58, v58  }
0x83: {  	v30 =	vmul.f32 v29, v25;
	v29 =	vand.u32 $0xFFFF0000, v33;
	v31 =	vadd.f32 v31, v31  }
0x84: {  	[tilespmem:$0x1FF90] =	vst v0;
	v25 =	vadd.f32 $-1.000000000e+00, v59;
	v29 =	vmul.f32 v29, v27;
	v27 =	vadd.f32 $-1.000000000e+00, v35  }
0x85: {  	[tilespmem:$0x1FFA0] =	vst v1;
	v18 =	vand.u32 $0xFFFF0000, v36;
	v33 =	vmul.f32 $1.442695020e+00, v62;
	v31 =	vadd.f32 $-1.000000000e+00, v31  }
0x86: {  	[tilespmem:$0x1FFB0] =	vst v2;
	v34 =	vsub.f32 $0.0e+00, v38;
	v25 =	vmul.f32 v60, v25;
	v27 =	vmul.f32 v32, v27  }
0x87: {  	s14 =	simm.s32 $0x10;
	s15 =	simm.s32 $0x0;
	[tilespmem:$0x1FFD0] =	vst v63;
	v32 =	vsub.f32 $0.0e+00, v53;
	v24 =	vmul.f32 v18, v31;
	v31 =	vmul.f32 $1.442695020e+00, v61  }
.LBB2_2:
0x88: {  	v13 =	vand.u32 $0x1, v50  }
0x89: {  	v16 =	vand.u32 $0x1, v52;
	v22 =	vsub.f32 $0.0e+00, v22;
	v34 =	vmul.f32 $1.442695020e+00, v34  }
0x8a: {  	(erf) = vpow2.f32 v31;
	v19 =	vsub.f32 $0.0e+00, v19;
	v31 =	vmul.f32 $1.442695020e+00, v32  }
0x8b: {  	v28 =	vsub.f32 $0.0e+00, v28;
	v20 =	vsub.f32 $0.0e+00, v20;
	v52 =	vcvt.s32.f32 v16  }
0x8c: {  	v21 =	vsub.f32 $0.0e+00, v21;
	(erf) = vpow2.f32 v33;
	v22 =	vmul.f32 $1.442695020e+00, v22  }
0x8d: {  	v23 =	vsub.f32 $0.0e+00, v23;
	(erf) = vpow2.f32 v34;
	v19 =	vmul.f32 $1.442695020e+00, v19  }
0x8e: {  	v24 =	vsub.f32 $0.0e+00, v24;
	v28 =	vmul.f32 $1.442695020e+00, v28;
	v20 =	vmul.f32 $1.442695020e+00, v20  }
0x8f: {  	v26 =	vsub.f32 $0.0e+00, v26;
	v21 =	vmul.f32 $1.442695020e+00, v21;
	v1 =	vmul.f32 $1.442695020e+00, v23  }
0x90: {  	v38 =	vmul.f32 $1.442695020e+00, v24;
	(erf) = vpow2.f32 v31;
	v8 =	vand.u32 $0x1, v42  }
0x91: {  	v9 =	vand.u32 $0x1, v44;
	v10 =	vand.u32 $0x1, v43;
	v11 =	vand.u32 $0x1, v45  }
0x92: {  	v43 =	vand.u32 $0x1, v49;
	v44 =	vand.u32 $0x1, v47;
	v17 =	vand.u32 $0x1, v17  }
0x93: {  	v14 =	vand.u32 $0x1, v51;
	(erf) = vpow2.f32 v22;
	v22 =	vmul.f32 $1.442695020e+00, v26  }
0x94: {  	v26 =	vmov s14;
	v9 =	vcvt.s32.f32 v9;
	(erf) = vpow2.f32 v19  }
0x95: {  	v45 =	vcvt.s32.f32 v43;
	v19 =	vsub.f32 $0.0e+00, v30;
	(erf) = vpow2.f32 v28  }
0x96: {  	v49 =	vcvt.s32.f32 v14;
	v26 =	vshll.u32 v26, $0x8;
	(erf) = vpow2.f32 v20  }
0x97: {  	v20 =	vsub.f32 $0.0e+00, v29;
	v0 =	vmul.f32 $1.442695020e+00, v19;
	(erf) = vpow2.f32 v22  }
0x98: {  	s15 =	sadd.s32 $0x10, s15;
	v26 =	vor.u32 v40, v26;
	v22 =	vsub.f32 $0.0e+00, v25;
	v25 =	vpop (erf);
	(erf) = vpow2.f32 v21  }
0x99: {  	v21 =	vsub.f32 $0.0e+00, v27;
	v2 =	vmul.f32 $1.442695020e+00, v20;
	v27 =	vld [tilespmem:s15+$0x0];
	(erf) = vpow2.f32 v0  }
0x9a: {  	v26 =	vand.u32 $0x7800, v26;
	v19 =	vpop (erf);
	v36 =	vmul.f32 $1.442695020e+00, v22;
	(erf) = vpow2.f32 v1  }
0x9b: {  	v26 =	vor.u32 v41, v26;
	v23 =	vpop (erf);
	v37 =	vmul.f32 $1.442695020e+00, v21;
	(erf) = vpow2.f32 v2  }
0x9c: {  	v39 =	vadd.f32 $1.000000000e+00, v25;
	v19 =	vadd.f32 $1.000000000e+00, v19;
	v20 =	vpop (erf);
	(erf) = vpow2.f32 v36  }
0x9d: {  	v23 =	vadd.f32 $1.000000000e+00, v23;
	v22 =	vpop (erf);
	v28 =	vadd.f32 $1.000000000e+00, v20;
	(erf) = vpow2.f32 v37  }
0x9e: {  	v21 =	vpop (erf);
	v22 =	vadd.f32 $1.000000000e+00, v22;
	v20 =	vshll.u32 v27, $0x7;
	v27 =	vcvt.s32.f32 v11  }
0x9f: {  	(erf) = vpow2.f32 v38;
	v24 =	vpop (erf);
	v21 =	vadd.f32 $1.000000000e+00, v21;
	v40 =	vor.u32 $0xF, v20  }
0xa0: {  	v53 =	vor.u32 $0xE, v20;
	v55 =	vor.u32 $0xD, v20;
	(erf) = vrcp.f32 v39;
	v25 =	vpop (erf)  }
0xa1: {  	v57 =	vor.u32 $0xC, v20;
	v59 =	vor.u32 $0xB, v20;
	v29 =	vpop (erf);
	(erf) = vrcp.f32 v19  }
0xa2: {  	v60 =	vor.u32 $0xA, v20;
	v62 =	vor.u32 $0x9, v20;
	v30 =	vpop (erf);
	(erf) = vrcp.f32 v23  }
0xa3: {  	v4 =	vor.u32 $0x8, v20;
	v38 =	vand.u32 $0x1, v46;
	v31 =	vpop (erf);
	(erf) = vrcp.f32 v28  }
0xa4: {  	v46 =	vcvt.s32.f32 v13;
	v23 =	vadd.f32 $1.000000000e+00, v24;
	v41 =	vpop (erf);
	(erf) = vrcp.f32 v22  }
0xa5: {  	v34 =	vcvt.s32.f32 v38;
	v22 =	vadd.f32 $1.000000000e+00, v25;
	v54 =	vpop (erf);
	(erf) = vrcp.f32 v21  }
0xa6: {  	v58 =	vadd.f32 $1.000000000e+00, v30;
	v21 =	vadd.f32 $1.000000000e+00, v29;
	v56 =	vpop (erf);
	(erf) = vrcp.f32 v23  }
0xa7: {  	v28 =	vor.u32 $0x6, v20;
	v61 =	vadd.f32 $1.000000000e+00, v41;
	v36 =	vpop (erf);
	(erf) = vrcp.f32 v22  }
0xa8: {  	v41 =	vand.u32 $0x1, v48;
	v22 =	vadd.f32 $1.000000000e+00, v31;
	v37 =	vpop (erf);
	(erf) = vrcp.f32 v21  }
0xa9: {  	v63 =	vadd.f32 $1.000000000e+00, v54;
	v41 =	vcvt.s32.f32 v41;
	v35 =	vpop (erf);
	(erf) = vrcp.f32 v58  }
0xaa: {  	v5 =	vadd.f32 $1.000000000e+00, v56;
	v6 =	vadd.f32 $1.000000000e+00, v36;
	(erf) = vrcp.f32 v22  }
0xab: {  	v7 =	vadd.f32 $1.000000000e+00, v37;
	v29 =	vpop (erf);
	v13 =	vadd.f32 v35, v35;
	(erf) = vrcp.f32 v61  }
0xac: {  	[tilespmem:$0x1FE80] =	vst v4;
	v37 =	vcvt.s32.f32 v44;
	v30 =	vpop (erf);
	v4 =	vadd.f32 v29, v29;
	(erf) = vrcp.f32 v63  }
0xad: {  	v31 =	vpop (erf);
	v3 =	vadd.f32 $-1.000000000e+00, v13;
	(erf) = vrcp.f32 v5;
	v5 =	vcvt.s32.f32 v8  }
0xae: {  	v25 =	vpop (erf);
	v8 =	vcvt.s32.f32 v10;
	v4 =	vadd.f32 $-1.000000000e+00, v4;
	(erf) = vrcp.f32 v6  }
0xaf: {  	[tilespmem:$0x1FE30] =	vst v55;
	v24 =	vpop (erf);
	v6 =	vadd.f32 v31, v31;
	v55 =	vadd.f32 v25, v25;
	v63 =	vmul.f32 v3, v3  }
0xb0: {  	[tilespmem:$0x1FE10] =	vst v53;
	(erf) = vrcp.f32 v7;
	v23 =	vpop (erf);
	v7 =	vadd.f32 v30, v30;
	v53 =	vadd.f32 v24, v24  }
0xb1: {  	[tilespmem:$0x1FE20] =	vst v5;
	v38 =	vmul.f32 v4, v4;
	v22 =	vpop (erf);
	v10 =	vadd.f32 v23, v23;
	v5 =	vadd.f32 $-1.000000000e+00, v6  }
0xb2: {  	v18 =	vmul.f32 $2.999033900e-04, v63;
	v56 =	vadd.f32 v22, v22;
	v6 =	vadd.f32 $-1.000000000e+00, v7  }
0xb3: {  	v21 =	vpop (erf);
	v16 =	vadd.f32 $-1.000000000e+00, v53;
	v7 =	vadd.f32 $-1.000000000e+00, v55;
	v55 =	vcvt.s32.f32 v17  }
0xb4: {  	[tilespmem:$0x1FE00] =	vst v40;
	v33 =	vpop (erf);
	v58 =	vadd.f32 v21, v21;
	v32 =	vadd.f32 $-1.000000000e+00, v10;
	v43 =	vmul.f32 v5, v5  }
0xb5: {  	[tilespmem:$0x1FE40] =	vst v57;
	v18 =	vadd.f32 $-5.179013130e-03, v18;
	v57 =	vadd.f32 v33, v33;
	v40 =	vmul.f32 v6, v6  }
0xb6: {  	v36 =	vpop (erf);
	v17 =	vadd.f32 $-1.000000000e+00, v56;
	v47 =	vmul.f32 v7, v7;
	v50 =	vmul.f32 v16, v16  }
0xb7: {  	[tilespmem:$0x1FDE0] =	vst v9;
	v6 =	vor.u32 $0x5, v20;
	v7 =	vor.u32 $0x4, v20;
	v11 =	vadd.f32 v36, v36  }
0xb8: {  	[tilespmem:$0x1FE50] =	vst v59;
	v39 =	vpop (erf);
	v9 =	vadd.f32 $-1.000000000e+00, v58;
	v53 =	vmul.f32 v32, v32;
	v32 =	vor.u32 $0x7, v20  }
0xb9: {  	[tilespmem:$0x1FEA0] =	vst v7;
	v7 =	vmul.f32 $2.999033900e-04, v43;
	v18 =	vmul.f32 v18, v63;
	v59 =	vadd.f32 v39, v39  }
0xba: {  	[tilespmem:$0x1FDF0] =	vst v8;
	v42 =	vpop (erf);
	v8 =	vadd.f32 $-1.000000000e+00, v57;
	v56 =	vmul.f32 v17, v17;
	v15 =	vmul.f32 $2.999033900e-04, v47  }
0xbb: {  	v2 =	vmul.f32 $2.999033900e-04, v50;
	v61 =	vadd.f32 v42, v42;
	v10 =	vadd.f32 $-1.000000000e+00, v11  }
0xbc: {  	v48 =	vpop (erf);
	v57 =	vmul.f32 v9, v9;
	v7 =	vadd.f32 $-5.179013130e-03, v7;
	v18 =	vadd.f32 $1.249936000e-01, v18  }
0xbd: {  	[tilespmem:$0x1FE60] =	vst v60;
	v12 =	vmul.f32 $2.999033900e-04, v53;
	v60 =	vadd.f32 v48, v48;
	v11 =	vadd.f32 $-1.000000000e+00, v59  }
0xbe: {  	v51 =	vpop (erf);
	v58 =	vmul.f32 v8, v8;
	v8 =	vmul.f32 $2.999033900e-04, v40;
	v15 =	vadd.f32 $-5.179013130e-03, v15  }
0xbf: {  	[tilespmem:$0x1FE70] =	vst v62;
	v1 =	vmul.f32 $2.999033900e-04, v56;
	v62 =	vadd.f32 v51, v51;
	v4 =	vadd.f32 $-1.000000000e+00, v61  }
0xc0: {  	v54 =	vpop (erf);
	v59 =	vmul.f32 v10, v10;
	v13 =	vmul.f32 $2.999033900e-04, v57;
	v12 =	vadd.f32 $-5.179013130e-03, v12  }
0xc1: {  	v9 =	vld [tilespmem:$0x1FFA0];
	v7 =	vmul.f32 v7, v43;
	v18 =	vmul.f32 v18, v63;
	v44 =	vadd.f32 v54, v54  }
0xc2: {  	v16 =	vadd.f32 $-1.000000000e+00, v60;
	v19 =	vmul.f32 v11, v11;
	v0 =	vmul.f32 $2.999033900e-04, v58  }
0xc3: {  	v8 =	vadd.f32 $-5.179013130e-03, v8;
	v15 =	vmul.f32 v15, v47;
	v17 =	vadd.f32 $-1.000000000e+00, v62  }
0xc4: {  	v60 =	vmul.f32 v4, v4;
	v4 =	vmul.f32 $2.999033900e-04, v38;
	v13 =	vadd.f32 $-5.179013130e-03, v13  }
0xc5: {  	v12 =	vmul.f32 v12, v53;
	v7 =	vadd.f32 $1.249936000e-01, v7;
	v18 =	vadd.f32 $6.931474800e-01, v18  }
0xc6: {  	v10 =	vld [tilespmem:$0x1FFB0];
	v5 =	vadd.f32 $-1.000000000e+00, v44;
	v62 =	vmul.f32 v16, v16;
	v44 =	vand.u32 $0x1, v9  }
0xc7: {  	v9 =	vmul.f32 $2.999033900e-04, v59;
	v3 =	vmul.f32 $2.999033900e-04, v19;
	v0 =	vadd.f32 $-5.179013130e-03, v0  }
0xc8: {  	v11 =	vld [tilespmem:$0x1FFC0];
	v8 =	vmul.f32 v8, v40;
	v15 =	vadd.f32 $1.249936000e-01, v15;
	v61 =	vmul.f32 v17, v17  }
0xc9: {  	[tilespmem:$0x1FE90] =	vst v6;
	v6 =	vadd.f32 $-5.179013130e-03, v4;
	v4 =	vmul.f32 $2.999033900e-04, v60;
	v13 =	vmul.f32 v13, v57  }
0xca: {  	v12 =	vadd.f32 $1.249936000e-01, v12;
	v63 =	vadd.f32 $5.000000000e-01, v18;
	v14 =	vmul.f32 v5, v5  }
0xcb: {  	v17 =	vand.u32 $0x1, v10;
	v5 =	vmul.f32 $2.999033900e-04, v62;
	v10 =	vadd.f32 $-5.179013130e-03, v2  }
0xcc: {  	v3 =	vadd.f32 $-5.179013130e-03, v3;
	v9 =	vadd.f32 $-5.179013130e-03, v9;
	v0 =	vmul.f32 v0, v58  }
0xcd: {  	v8 =	vadd.f32 $1.249936000e-01, v8;
	v16 =	vand.u32 $0x1, v11;
	v2 =	vmul.f32 $2.999033900e-04, v61  }
0xce: {  	v11 =	vadd.f32 $-5.179013130e-03, v1;
	v4 =	vadd.f32 $-5.179013130e-03, v4;
	v6 =	vmul.f32 v6, v38  }
0xcf: {  	v13 =	vadd.f32 $1.249936000e-01, v13;
	v1 =	vmul.f32 $2.999033900e-04, v14;
	v5 =	vadd.f32 $-5.179013130e-03, v5  }
0xd0: {  	v10 =	vmul.f32 v10, v50;
	v9 =	vmul.f32 v9, v59;
	v0 =	vadd.f32 $1.249936000e-01, v0  }
0xd1: {  	v3 =	vmul.f32 v3, v19;
	v2 =	vadd.f32 $-5.179013130e-03, v2;
	v11 =	vmul.f32 v11, v56  }
0xd2: {  	v4 =	vmul.f32 v4, v60;
	v6 =	vadd.f32 $1.249936000e-01, v6;
	v1 =	vadd.f32 $-5.179013130e-03, v1  }
0xd3: {  	v10 =	vadd.f32 $1.249936000e-01, v10;
	v5 =	vmul.f32 v5, v62;
	v9 =	vadd.f32 $1.249936000e-01, v9  }
0xd4: {  	v3 =	vadd.f32 $1.249936000e-01, v3;
	v0 =	vmul.f32 v0, v58;
	v2 =	vmul.f32 v2, v61  }
0xd5: {  	v11 =	vadd.f32 $1.249936000e-01, v11;
	v4 =	vadd.f32 $1.249936000e-01, v4;
	v1 =	vmul.f32 v1, v14  }
0xd6: {  	v5 =	vadd.f32 $1.249936000e-01, v5;
	v3 =	vmul.f32 v3, v19;
	v9 =	vmul.f32 v9, v59  }
0xd7: {  	v0 =	vadd.f32 $6.931474800e-01, v0;
	v59 =	vmul.f32 v12, v53;
	v2 =	vadd.f32 $1.249936000e-01, v2  }
0xd8: {  	v4 =	vmul.f32 v4, v60;
	v1 =	vadd.f32 $1.249936000e-01, v1;
	v3 =	vadd.f32 $6.931474800e-01, v3  }
0xd9: {  	v5 =	vmul.f32 v5, v62;
	v9 =	vadd.f32 $6.931474800e-01, v9;
	v0 =	vadd.f32 $5.000000000e-01, v0  }
0xda: {  	v62 =	vadd.f32 $6.931474800e-01, v59;
	v2 =	vmul.f32 v2, v61;
	v4 =	vadd.f32 $6.931474800e-01, v4  }
0xdb: {  	v1 =	vmul.f32 v1, v14;
	v14 =	vsub.f32 v35, v63;
	v5 =	vadd.f32 $6.931474800e-01, v5  }
0xdc: {  	v18 =	vld [tilespmem:$0x1FFD0];
	v7 =	vmul.f32 v7, v43;
	v3 =	vadd.f32 $5.000000000e-01, v3;
	v0 =	vsub.f32 v33, v0  }
0xdd: {  	v33 =	vmul.f32 v15, v47;
	v2 =	vadd.f32 $6.931474800e-01, v2;
	v4 =	vadd.f32 $5.000000000e-01, v4  }
0xde: {  	v16 =	vcvt.s32.f32 v16;
	v1 =	vadd.f32 $6.931474800e-01, v1;
	v5 =	vadd.f32 $5.000000000e-01, v5  }
0xdf: {  	v14 =	vmul.f32 v46, v14;
	v3 =	vsub.f32 v39, v3;
	v39 =	vadd.f32 $6.931474800e-01, v33  }
0xe0: {  	v6 =	vmul.f32 v6, v38;
	v2 =	vadd.f32 $5.000000000e-01, v2;
	v4 =	vsub.f32 v42, v4  }
0xe1: {  	v38 =	vor.u32 $0x3, v20;
	v1 =	vadd.f32 $5.000000000e-01, v1;
	v14 =	vsub.f32 v18, v14  }
0xe2: {  	v19 =	vor.u32 $0x1, v20;
	v5 =	vsub.f32 v48, v5;
	v48 =	vadd.f32 $5.000000000e-01, v9  }
0xe3: {  	v53 =	vld [tilespmem:$0x1FE00];
	v63 =	vmul.f32 v10, v50;
	v43 =	vadd.f32 $5.000000000e-01, v39;
	v2 =	vsub.f32 v51, v2  }
0xe4: {  	v51 =	vmul.f32 v13, v57;
	v13 =	vadd.f32 $5.000000000e-01, v62;
	v1 =	vsub.f32 v54, v1  }
0xe5: {  	v57 =	vsub.f32 v36, v48;
	v2 =	vmul.f32 v55, v2;
	v55 =	vmul.f32 v11, v56  }
0xe6: {  	v46 =	vmul.f32 v52, v5;
	v54 =	vadd.f32 $6.931474800e-01, v51;
	v1 =	vmul.f32 v16, v1  }
0xe7: {  	v42 =	vsub.f32 v23, v13;
	v60 =	vmul.f32 v41, v57;
	v57 =	vld [tilespmem:$0x1FE10];
	v58 =	vadd.f32 $6.931474800e-01, v55  }
0xe8: {  	v52 =	vmul.f32 v49, v4;
	v4 =	vadd.f32 $5.000000000e-01, v54;
	v1 =	vsub.f32 v14, v1  }
0xe9: {  	v56 =	vmul.f32 v45, v3;
	v45 =	vadd.f32 $6.931474800e-01, v7;
	v61 =	vadd.f32 $5.000000000e-01, v58  }
0xea: {  	v0 =	vmul.f32 v37, v0;
	v62 =	vld [tilespmem:$0x1FF90];
	v12 =	vsub.f32 v21, v4;
	v1 =	vsub.f32 v1, v2  }
0xeb: {  	v49 =	vadd.f32 $5.000000000e-01, v45;
	v54 =	vcvt.s32.f32 v17;
	v14 =	vadd.f32 $6.931474800e-01, v63;
	v4 =	vld.idx.msk [tilespmem:v53+s10+$0x0], $0xffff  }
0xec: {  	v35 =	vmul.f32 v34, v12;
	v36 =	vsub.f32 v22, v61;
	v34 =	vld [tilespmem:$0x1FE40];
	v1 =	vsub.f32 v1, v46  }
0xed: {  	v37 =	vadd.f32 $5.000000000e-01, v14;
	v61 =	vcvt.s32.f32 v44;
	v44 =	vld [tilespmem:$0x1FE50];
	v46 =	vmul.f32 v8, v40  }
0xee: {  	v59 =	vsub.f32 v31, v49;
	v41 =	vmul.f32 v27, v36;
	v36 =	vld.idx.msk [tilespmem:v20+s10+$0x0], $0xffff;
	v1 =	vsub.f32 v1, v52  }
0xef: {  	v63 =	vand.u32 $0x1, v62;
	v48 =	vsub.f32 v24, v37;
	v50 =	vadd.f32 $6.931474800e-01, v46;
	v12 =	vld.idx.msk [tilespmem:v57+s10+$0x0], $0xffff  }
0xf0: {  	v9 =	vcvt.s32.f32 v63;
	v1 =	vsub.f32 v1, v56;
	v56 =	vadd.f32 $6.931474800e-01, v6  }
0xf1: {  	v47 =	vld [tilespmem:$0x1FDE0];
	v2 =	vmul.f32 v54, v59;
	v52 =	vsub.f32 v25, v43;
	v55 =	vadd.f32 $5.000000000e-01, v50  }
0xf2: {  	v37 =	vor.u32 $0x2, v20;
	v1 =	vsub.f32 v1, v60;
	v33 =	vadd.f32 $5.000000000e-01, v56  }
0xf3: {  	v16 =	vld.idx.msk [tilespmem:v28+s10+$0x0], $0xffff;
	v15 =	vshrl.u32 v36, $0x1;
	v18 =	vshra.s32 v36, $0x6;
	v50 =	vmovc v4;
	v4 =	vshra.s32 v36, $0x2  }
0xf4: {  	v46 =	vld [tilespmem:$0x1FE60];
	v20 =	vshrl.u32 v50, $0x1;
	v21 =	vshra.s32 v50, $0x6;
	v23 =	vshrl.u32 v12, $0x1  }
0xf5: {  	v56 =	vld.idx.msk [tilespmem:v32+s10+$0x0], $0xffff;
	v32 =	vshra.s32 v12, $0x2;
	v18 =	vand.u32 $0xFFFFFFF0, v18;
	v0 =	vsub.f32 v1, v0  }
0xf6: {  	v45 =	vld.idx.msk [tilespmem:v44+s10+$0x0], $0xffff;
	v15 =	vand.u32 $0x1, v15;
	v1 =	vmul.f32 v47, v42;
	v47 =	vsub.f32 v29, v33  }
0xf7: {  	v5 =	vld.idx.msk [tilespmem:v34+s10+$0x0], $0xffff;
	v18 =	vsub.s32 $0x10, v18;
	v15 =	vcvt.s32.f32 v15;
	v0 =	vsub.f32 v0, v35  }
0xf8: {  	v35 =	vsub.f32 v30, v55;
	v7 =	vmul.f32 v9, v47;
	v9 =	vshra.s32 v12, $0x6  }
0xf9: {  	v51 =	vld [tilespmem:$0x1FDF0];
	[tilespmem:$0x1FFA0] =	vst v12;
	v30 =	vshra.s32 v50, $0x2;
	v12 =	vand.u32 $0x1, v23;
	v15 =	vadd.f32 v15, v15  }
0xfa: {  	v60 =	vld [tilespmem:$0x1FE30];
	v9 =	vand.u32 $0xFFFFFFF0, v9;
	v40 =	vand.u32 $0x7F, v30;
	v12 =	vcvt.s32.f32 v12  }
0xfb: {  	v59 =	vld [tilespmem:$0x1FEA0];
	v62 =	vmovc v56;
	v0 =	vsub.f32 v0, v41;
	v3 =	vmul.f32 v61, v35;
	v27 =	vshrl.u32 v45, $0x1  }
0xfc: {  	v28 =	vshrl.u32 v5, $0x1;
	v61 =	vld.idx.msk [tilespmem:v37+s10+$0x0], $0xffff;
	v35 =	vshra.s32 v16, $0x6;
	v37 =	vshrl.u32 v62, $0x1  }
0xfd: {  	v8 =	vld.idx.msk [tilespmem:v46+s10+$0x0], $0xffff;
	v41 =	vshrl.u32 v16, $0x1;
	v42 =	vshra.s32 v45, $0x2;
	v53 =	vshra.s32 v62, $0x2  }
0xfe: {  	v58 =	vld [tilespmem:$0x1FE20];
	[tilespmem:$0x1FEF0] =	vst v62;
	v62 =	vand.u32 $0xFFFFFFF0, v21;
	v9 =	vsub.s32 $0x10, v9;
	v15 =	vadd.f32 $-1.000000000e+00, v15  }
0xff: {  	v55 =	vld [tilespmem:$0x1FE80];
	v10 =	vand.u32 $0x1, v28;
	v35 =	vand.u32 $0xFFFFFFF0, v35;
	v37 =	vand.u32 $0x1, v37  }
0x100: {  	v41 =	vand.u32 $0x1, v41;
	v12 =	vadd.f32 v12, v12;
	v0 =	vsub.f32 v0, v1  }
0x101: {  	v1 =	vmul.f32 v51, v48;
	v10 =	vcvt.s32.f32 v10;
	v35 =	vsub.s32 $0x10, v35  }
0x102: {  	v14 =	vld.idx.msk [tilespmem:v60+s10+$0x0], $0xffff;
	v37 =	vcvt.s32.f32 v37;
	v25 =	vshra.s32 v8, $0x6;
	v29 =	vshrl.u32 v8, $0x1  }
0x103: {  	v60 =	vld.idx.msk [tilespmem:v59+s10+$0x0], $0xffff;
	v12 =	vadd.f32 $-1.000000000e+00, v12;
	v0 =	vsub.f32 v0, v1;
	v1 =	vmul.f32 v58, v52  }
0x104: {  	[tilespmem:$0x1FED0] =	vst v40;
	v52 =	vld.idx.msk [tilespmem:v38+s10+$0x0], $0xffff;
	v38 =	vshra.s32 v5, $0x2;
	v40 =	vand.u32 $0x1, v29;
	v10 =	vadd.f32 v10, v10  }
0x105: {  	v59 =	vshra.s32 v61, $0x2;
	v21 =	vand.u32 $0x7F, v38;
	v38 =	vshll.u32 v38, $0x3  }
0x106: {  	v40 =	vcvt.s32.f32 v40;
	v1 =	vsub.f32 v0, v1;
	v0 =	vld.idx.msk [tilespmem:v19+s10+$0x0], $0xffff;
	v19 =	vshra.s32 v56, $0x6  }
0x107: {  	[tilespmem:$0x1FF20] =	vst v16;
	v17 =	vld.idx.msk [tilespmem:v55+s10+$0x0], $0xffff;
	v55 =	vshrl.u32 v61, $0x1;
	v56 =	vshra.s32 v16, $0x2;
	v16 =	vshll.u32 v30, $0x3  }
0x108: {  	v10 =	vadd.f32 $-1.000000000e+00, v10;
	v22 =	vshra.s32 v14, $0x6;
	v24 =	vshrl.u32 v14, $0x1  }
0x109: {  	v34 =	vshra.s32 v14, $0x2;
	v43 =	vshra.s32 v60, $0x6;
	v47 =	vshrl.u32 v60, $0x1  }
0x10a: {  	[tilespmem:$0x1FFB0] =	vst v14;
	v14 =	vand.u32 $0x7F, v4;
	v4 =	vshll.u32 v4, $0x3;
	v19 =	vand.u32 $0xFFFFFFF0, v19  }
0x10b: {  	v55 =	vand.u32 $0x1, v55;
	v30 =	vand.u32 $0x7F, v56;
	v56 =	vshll.u32 v56, $0x3  }
0x10c: {  	v16 =	vand.u32 $0x400, v16;
	v2 =	vsub.f32 v1, v2;
	v6 =	vand.u32 $0x1, v24  }
0x10d: {  	[tilespmem:$0x1FEB0] =	vst v14;
	v14 =	vand.u32 $0x7F, v32;
	v24 =	vand.u32 $0x7F, v34;
	v43 =	vand.u32 $0xFFFFFFF0, v43  }
0x10e: {  	[tilespmem:$0x1FF90] =	vst v50;
	v47 =	vand.u32 $0x1, v47;
	v4 =	vand.u32 $0x400, v4;
	v46 =	vshra.s32 v52, $0x6  }
0x10f: {  	v50 =	vshrl.u32 v52, $0x1;
	[tilespmem:$0x1FEC0] =	vst v14;
	v14 =	vand.u32 $0x7F, v42;
	v42 =	vshll.u32 v42, $0x3  }
0x110: {  	v48 =	vld [tilespmem:$0x1FE70];
	v6 =	vcvt.s32.f32 v6;
	v47 =	vcvt.s32.f32 v47;
	v3 =	vsub.f32 v2, v3  }
0x111: {  	v2 =	vand.u32 $0x1, v27;
	v50 =	vand.u32 $0x1, v50;
	v11 =	vshra.s32 v17, $0x6  }
0x112: {  	v33 =	vshrl.u32 v17, $0x1;
	v51 =	vshra.s32 v17, $0x2;
	v54 =	vshrl.u32 v0, $0x1  }
0x113: {  	[tilespmem:$0x1FF70] =	vst v45;
	v2 =	vcvt.s32.f32 v2;
	v6 =	vadd.f32 v6, v6;
	v57 =	vsub.f32 v3, v7  }
0x114: {  	[tilespmem:$0x1FF80] =	vst v5;
	v3 =	vshra.s32 v45, $0x6;
	v7 =	vshra.s32 v5, $0x6;
	v45 =	vshra.s32 v8, $0x2  }
0x115: {  	[tilespmem:$0x1FF40] =	vst v8;
	v58 =	vld [tilespmem:$0x1FE90];
	v5 =	vand.u32 $0x1, v20;
	v8 =	vand.u32 $0xFFFFFFF0, v25;
	v11 =	vand.u32 $0xFFFFFFF0, v11  }
0x116: {  	v20 =	vshll.u32 v32, $0x3;
	v23 =	vand.u32 $0x1, v33;
	v28 =	vand.u32 $0x7F, v51  }
0x117: {  	v51 =	vshll.u32 v51, $0x3;
	v25 =	vand.u32 $0x7F, v53;
	v53 =	vshll.u32 v53, $0x3  }
0x118: {  	v49 =	vld.idx.msk [tilespmem:v48+s10+$0x0], $0xffff;
	v54 =	vand.u32 $0x1, v54;
	v7 =	vand.u32 $0xFFFFFFF0, v7;
	v3 =	vand.u32 $0xFFFFFFF0, v3  }
0x119: {  	[tilespmem:$0x1FF10] =	vst v43;
	v43 =	vand.u32 $0x7F, v45;
	v27 =	vshll.u32 v45, $0x3;
	v45 =	vand.u32 $0xFFFFFFF0, v46  }
0x11a: {  	v8 =	vsub.s32 $0x10, v8;
	v20 =	vand.u32 $0x400, v20;
	v53 =	vand.u32 $0x400, v53  }
0x11b: {  	[tilespmem:$0x1FF00] =	vst v60;
	v54 =	vcvt.s32.f32 v54;
	v2 =	vadd.f32 v2, v2;
	v6 =	vadd.f32 $-1.000000000e+00, v6  }
0x11c: {  	[tilespmem:$0x1FFD0] =	vst v57;
	v57 =	vshra.s32 v60, $0x2;
	v60 =	vshra.s32 v52, $0x2;
	v3 =	vsub.s32 $0x10, v3  }
0x11d: {  	v1 =	vld.idx.msk [tilespmem:v58+s10+$0x0], $0xffff;
	v27 =	vand.u32 $0x400, v27;
	v25 =	vor.u32 v53, v25;
	v13 =	vshra.s32 v49, $0x6  }
0x11e: {  	v31 =	vshrl.u32 v49, $0x1;
	[tilespmem:$0x1FF50] =	vst v49;
	v48 =	vshra.s32 v49, $0x2;
	v49 =	vshra.s32 v61, $0x6  }
0x11f: {  	[tilespmem:$0x1FF60] =	vst v61;
	v61 =	vshra.s32 v0, $0x2;
	v32 =	vand.u32 $0x7F, v57;
	v33 =	vand.u32 $0x7F, v60  }
0x120: {  	v60 =	vshll.u32 v60, $0x3;
	v57 =	vshll.u32 v57, $0x3;
	v25 =	vor.u32 v26, v25  }
0x121: {  	[tilespmem:$0x1FEE0] =	vst v17;
	v54 =	vadd.f32 v54, v54;
	v2 =	vadd.f32 $-1.000000000e+00, v2;
	v13 =	vand.u32 $0xFFFFFFF0, v13  }
0x122: {  	[tilespmem:$0x1FFC0] =	vst v0;
	v17 =	vand.u32 $0x1, v31;
	v29 =	vshll.u32 v48, $0x3;
	v39 =	vshra.s32 v1, $0x6  }
0x123: {  	v44 =	vshrl.u32 v1, $0x1;
	v63 =	vmovc v1;
	[tilespmem:$0x1FF30] =	vst v1;
	v1 =	vshra.s32 v0, $0x6;
	v0 =	vshll.u32 v61, $0x3  }
0x124: {  	v13 =	vsub.s32 $0x10, v13;
	v17 =	vcvt.s32.f32 v17;
	v29 =	vand.u32 $0x400, v29  }
0x125: {  	v58 =	vshra.s32 v63, $0x2;
	v63 =	vand.u32 $0xFFFFFFF0, v22;
	v22 =	vshll.u32 v34, $0x3  }
0x126: {  	v39 =	vand.u32 $0xFFFFFFF0, v39;
	v46 =	vand.u32 $0x1, v44;
	v44 =	vand.u32 $0x7F, v48  }
0x127: {  	v48 =	vand.u32 $0xFFFFFFF0, v49;
	v49 =	vand.u32 $0xFFFFFFF0, v1;
	v34 =	vand.u32 $0x7F, v61  }
0x128: {  	v1 =	vand.u32 $0x7F, v59;
	v59 =	vshll.u32 v59, $0x3;
	v61 =	vsub.s32 $0x10, v62  }
0x129: {  	v0 =	vand.u32 $0x400, v0;
	v31 =	vand.u32 $0x7F, v58;
	v58 =	vshll.u32 v58, $0x3  }
0x12a: {  	v62 =	vsub.s32 $0x10, v63;
	v63 =	vcvt.s32.f32 v5;
	v5 =	vsub.s32 $0x10, v7  }
0x12b: {  	v7 =	vsub.s32 $0x10, v11;
	v11 =	vsub.s32 $0x10, v19;
	v19 =	vand.u32 $0x400, v22  }
0x12c: {  	v22 =	vcvt.s32.f32 v23;
	v23 =	vand.u32 $0x400, v38;
	v38 =	vcvt.s32.f32 v41  }
0x12d: {  	v41 =	vand.u32 $0x400, v42;
	v42 =	vcvt.s32.f32 v46;
	v46 =	vcvt.s32.f32 v50  }
0x12e: {  	v50 =	vand.u32 $0x400, v51;
	v51 =	vcvt.s32.f32 v55;
	v55 =	vand.u32 $0x400, v56  }
0x12f: {  	v56 =	vand.u32 $0x400, v57;
	v0 =	vor.u32 v0, v34;
	v17 =	vadd.f32 v17, v17  }
0x130: {  	v57 =	vand.u32 $0x400, v58;
	v58 =	vand.u32 $0x400, v59;
	v59 =	vand.u32 $0x400, v60  }
0x131: {  	v14 =	vor.u32 v41, v14;
	v23 =	vor.u32 v23, v21;
	v19 =	vor.u32 v19, v24  }
0x132: {  	v60 =	vld [tilespmem:$0x1FEB0];
	v21 =	vor.u32 v29, v44;
	v24 =	vor.u32 v27, v43;
	v27 =	vor.u32 v50, v28  }
0x133: {  	v28 =	vor.u32 v55, v30;
	v29 =	vor.u32 v56, v32;
	v0 =	vor.u32 v26, v0  }
0x134: {  	v56 =	vadd.f32 v40, v40;
	v41 =	vadd.f32 $-1.000000000e+00, v54;
	v23 =	vor.u32 v26, v23  }
0x135: {  	v25 =	vld.idx.msk [tilespmem:v25+s8+$0x0], $0xffff;
	v30 =	vor.u32 v57, v31;
	v19 =	vor.u32 v26, v19;
	v14 =	vor.u32 v26, v14  }
0x136: {  	v31 =	vor.u32 v59, v33;
	v24 =	vor.u32 v26, v24;
	v33 =	vadd.f32 $-1.000000000e+00, v56;
	v56 =	vld [tilespmem:$0x1FF10]  }
0x137: {  	v32 =	vadd.f32 v63, v63;
	v21 =	vor.u32 v26, v21;
	v4 =	vor.u32 v4, v60;
	v60 =	vld [tilespmem:$0x1FEC0]  }
0x138: {  	v27 =	vor.u32 v26, v27;
	v57 =	vadd.f32 v37, v37;
	v22 =	vadd.f32 v22, v22;
	v0 =	vld.idx.msk [tilespmem:v0+s8+$0x0], $0xffff  }
0x139: {  	v1 =	vor.u32 v58, v1;
	v58 =	vadd.f32 v42, v42;
	v59 =	vadd.f32 v38, v38;
	v23 =	vld.idx.msk [tilespmem:v23+s8+$0x0], $0xffff  }
0x13a: {  	v28 =	vor.u32 v26, v28;
	v63 =	vadd.f32 v47, v47;
	v1 =	vor.u32 v26, v1;
	v14 =	vld.idx.msk [tilespmem:v14+s8+$0x0], $0xffff  }
0x13b: {  	v55 =	vadd.f32 v51, v51;
	v29 =	vor.u32 v26, v29;
	v31 =	vor.u32 v26, v31;
	v24 =	vld.idx.msk [tilespmem:v24+s8+$0x0], $0xffff  }
0x13c: {  	v17 =	vadd.f32 $-1.000000000e+00, v17;
	v32 =	vadd.f32 $-1.000000000e+00, v32;
	v4 =	vor.u32 v26, v4;
	v21 =	vld.idx.msk [tilespmem:v21+s8+$0x0], $0xffff  }
0x13d: {  	v30 =	vor.u32 v26, v30;
	v34 =	vadd.f32 $-1.000000000e+00, v57;
	v57 =	vadd.f32 $-1.000000000e+00, v22;
	v27 =	vld.idx.msk [tilespmem:v27+s8+$0x0], $0xffff  }
0x13e: {  	v50 =	vmovc v36;
	v36 =	vadd.f32 $-1.000000000e+00, v58;
	v37 =	vadd.f32 $-1.000000000e+00, v59;
	v20 =	vor.u32 v20, v60;
	v60 =	vld [tilespmem:$0x1FED0]  }
0x13f: {  	v58 =	vsub.s32 $0x10, v48;
	v40 =	vadd.f32 $-1.000000000e+00, v63;
	v1 =	vld.idx.msk [tilespmem:v1+s8+$0x0], $0xffff;
	v20 =	vor.u32 v26, v20  }
0x140: {  	v59 =	vsub.s32 $0x10, v49;
	v42 =	vadd.f32 $-1.000000000e+00, v55;
	v11 =	vshll.u32 v25, v11;
	v22 =	vld.idx.msk [tilespmem:v31+s8+$0x0], $0xffff  }
0x141: {  	v11 =	vand.u32 $0xFFFF0000, v11;
	v31 =	vsub.s32 $0x10, v45;
	v0 =	vshll.u32 v0, v59;
	v4 =	vld.idx.msk [tilespmem:v4+s8+$0x0], $0xffff  }
0x142: {  	v19 =	vld.idx.msk [tilespmem:v19+s8+$0x0], $0xffff;
	v3 =	vshll.u32 v14, v3;
	v5 =	vshll.u32 v23, v5;
	v7 =	vshll.u32 v27, v7  }
0x143: {  	v29 =	vld.idx.msk [tilespmem:v29+s8+$0x0], $0xffff;
	v13 =	vshll.u32 v21, v13;
	v8 =	vshll.u32 v24, v8;
	v16 =	vor.u32 v16, v60  }
0x144: {  	v1 =	vshll.u32 v1, v58;
	v5 =	vand.u32 $0xFFFF0000, v5;
	v16 =	vor.u32 v26, v16;
	v20 =	vld.idx.msk [tilespmem:v20+s8+$0x0], $0xffff  }
0x145: {  	v8 =	vand.u32 $0xFFFF0000, v8;
	v3 =	vand.u32 $0xFFFF0000, v3;
	v7 =	vand.u32 $0xFFFF0000, v7;
	v26 =	vld.idx.msk [tilespmem:v28+s8+$0x0], $0xffff  }
0x146: {  	v1 =	vand.u32 $0xFFFF0000, v1;
	v60 =	vadd.f32 v46, v46;
	v28 =	vld.idx.msk [tilespmem:v30+s8+$0x0], $0xffff;
	v4 =	vshll.u32 v4, v18  }
0x147: {  	v30 =	vsub.s32 $0x10, v39;
	v39 =	vsub.s32 $0x10, v56;
	v4 =	vand.u32 $0xFFFF0000, v4  }
0x148: {  	v44 =	vld [tilespmem:$0x1FF40];
	v38 =	vadd.f32 $-1.000000000e+00, v60;
	v60 =	vshll.u32 v19, v62;
	v4 =	vmul.f32 v4, v15  }
0x149: {  	v27 =	vmul.f32 v1, v42;
	v21 =	vshll.u32 v29, v39;
	v14 =	vand.u32 $0xFFFF0000, v60;
	v16 =	vld.idx.msk [tilespmem:v16+s8+$0x0], $0xffff  }
0x14a: {  	v43 =	vld [tilespmem:$0x1FF70];
	v6 =	vmul.f32 v14, v6;
	v62 =	vsub.f32 $0.0e+00, v4;
	v9 =	vshll.u32 v20, v9  }
0x14b: {  	v47 =	vld [tilespmem:$0x1FEF0];
	v18 =	vshll.u32 v28, v30;
	v20 =	vshll.u32 v22, v31;
	v22 =	vmul.f32 v5, v10  }
0x14c: {  	v51 =	vld [tilespmem:$0x1FF00];
	v19 =	vshll.u32 v26, v35;
	v28 =	vmul.f32 v8, v33;
	v26 =	vmul.f32 v7, v57  }
0x14d: {  	v48 =	vld [tilespmem:$0x1FF20];
	v9 =	vand.u32 $0xFFFF0000, v9;
	v24 =	vand.u32 $0xFFFF0000, v19;
	v15 =	vand.u32 $0xFFFF0000, v18  }
0x14e: {  	v49 =	vld [tilespmem:$0x1FF30];
	v18 =	vand.u32 $0xFFFF0000, v21;
	v19 =	vmul.f32 v3, v2;
	v16 =	vshll.u32 v16, v61  }
0x14f: {  	p0 =	sne.s32 s14, $0x70;
	v45 =	vld [tilespmem:$0x1FF50];
	v21 =	vmul.f32 v11, v34;
	v31 =	vmul.f32 $1.442695020e+00, v62;
	v16 =	vand.u32 $0xFFFF0000, v16  }
.Ltmp0:
0x150: {  	v0 =	vand.u32 $0xFFFF0000, v0;
	v42 =	vld [tilespmem:$0x1FF80];
	v9 =	vmul.f32 v9, v12;
	v16 =	vmul.f32 v16, v32;
	(pc) =	sbr.rel @p0 .LBB2_2-.Ltmp0, $4  }
0x151: {  	v13 =	vand.u32 $0xFFFF0000, v13;
	v46 =	vld [tilespmem:$0x1FEE0];
	v23 =	vmul.f32 v15, v36;
	v30 =	vmul.f32 v24, v37  }
0x152: {  	v29 =	vmul.f32 v18, v40;
	v40 =	vld [tilespmem:$0x1FFE0];
	v24 =	vmul.f32 v0, v41;
	v63 =	vsub.f32 $0.0e+00, v16  }
0x153: {  	v41 =	vld [tilespmem:$0x1FFF0];
	v34 =	vsub.f32 $0.0e+00, v9;
	v61 =	vand.u32 $0xFFFF0000, v20;
	v20 =	vmul.f32 v13, v17  }
0x154: {  	s14 =	sadd.s32 $0x10, s14;
	v17 =	vld [tilespmem:$0x1FF60];
	v25 =	vmul.f32 v61, v38;
	v32 =	vsub.f32 $0.0e+00, v6;
	v33 =	vmul.f32 $1.442695020e+00, v63  }
0x155: {  	v0 =	vsub.f32 $0.0e+00, v22;
	v1 =	vmul.f32 $1.442695020e+00, v34;
	(erf) = vpow2.f32 v31  }
0x156: {  	v2 =	vsub.f32 $0.0e+00, v19;
	v3 =	vmul.f32 $1.442695020e+00, v32;
	(erf) = vpow2.f32 v33  }
0x157: {  	v4 =	vsub.f32 $0.0e+00, v28;
	v0 =	vmul.f32 $1.442695020e+00, v0;
	(erf) = vpow2.f32 v1  }
0x158: {  	v9 =	vsub.f32 $0.0e+00, v20;
	v2 =	vmul.f32 $1.442695020e+00, v2;
	(erf) = vpow2.f32 v3  }
0x159: {  	v10 =	vsub.f32 $0.0e+00, v26;
	v4 =	vmul.f32 $1.442695020e+00, v4;
	(erf) = vpow2.f32 v0  }
0x15a: {  	v11 =	vsub.f32 $0.0e+00, v21;
	v1 =	vmul.f32 $1.442695020e+00, v9;
	(erf) = vpow2.f32 v2  }
0x15b: {  	v12 =	vsub.f32 $0.0e+00, v30;
	v3 =	vmul.f32 $1.442695020e+00, v10;
	(erf) = vpow2.f32 v4  }
0x15c: {  	v13 =	vsub.f32 $0.0e+00, v23;
	v0 =	vmul.f32 $1.442695020e+00, v11;
	(erf) = vpow2.f32 v1  }
0x15d: {  	v14 =	vsub.f32 $0.0e+00, v29;
	v2 =	vmul.f32 $1.442695020e+00, v12;
	(erf) = vpow2.f32 v3  }
0x15e: {  	v15 =	vsub.f32 $0.0e+00, v25;
	v4 =	vmul.f32 $1.442695020e+00, v13;
	v5 =	vpop (erf);
	(erf) = vpow2.f32 v0  }
0x15f: {  	v16 =	vsub.f32 $0.0e+00, v27;
	v1 =	vmul.f32 $1.442695020e+00, v14;
	(erf) = vpow2.f32 v2;
	v18 =	vpop (erf)  }
0x160: {  	v6 =	vsub.f32 $0.0e+00, v24;
	v3 =	vmul.f32 $1.442695020e+00, v15;
	(erf) = vpow2.f32 v4;
	v19 =	vpop (erf)  }
0x161: {  	v0 =	vmul.f32 $1.442695020e+00, v16;
	(erf) = vpow2.f32 v1;
	v20 =	vpop (erf)  }
0x162: {  	v6 =	vmul.f32 $1.442695020e+00, v6;
	(erf) = vpow2.f32 v3;
	v21 =	vpop (erf)  }
0x163: {  	v5 =	vadd.f32 $1.000000000e+00, v5;
	(erf) = vpow2.f32 v0;
	v22 =	vpop (erf)  }
0x164: {  	v2 =	vadd.f32 $1.000000000e+00, v18;
	(erf) = vpow2.f32 v6;
	v23 =	vpop (erf)  }
0x165: {  	v4 =	vadd.f32 $1.000000000e+00, v19;
	(erf) = vrcp.f32 v5;
	v24 =	vpop (erf)  }
0x166: {  	v1 =	vadd.f32 $1.000000000e+00, v20;
	v7 =	vpop (erf);
	(erf) = vrcp.f32 v2  }
0x167: {  	v25 =	vadd.f32 $1.000000000e+00, v21;
	v26 =	vpop (erf);
	(erf) = vrcp.f32 v4  }
0x168: {  	v0 =	vadd.f32 $1.000000000e+00, v22;
	v27 =	vpop (erf);
	(erf) = vrcp.f32 v1  }
0x169: {  	v28 =	vadd.f32 $1.000000000e+00, v23;
	v29 =	vpop (erf);
	(erf) = vrcp.f32 v25  }
0x16a: {  	v30 =	vadd.f32 $1.000000000e+00, v24;
	v31 =	vpop (erf);
	(erf) = vrcp.f32 v0  }
0x16b: {  	v32 =	vadd.f32 $1.000000000e+00, v7;
	v33 =	vpop (erf);
	(erf) = vrcp.f32 v28  }
0x16c: {  	v34 =	vadd.f32 $1.000000000e+00, v26;
	v35 =	vpop (erf);
	(erf) = vrcp.f32 v30  }
0x16d: {  	v36 =	vadd.f32 $1.000000000e+00, v27;
	v37 =	vpop (erf);
	(erf) = vrcp.f32 v32  }
0x16e: {  	v38 =	vadd.f32 $1.000000000e+00, v29;
	v39 =	vpop (erf);
	(erf) = vrcp.f32 v34  }
0x16f: {  	v53 =	vadd.f32 $1.000000000e+00, v31;
	(erf) = vrcp.f32 v36;
	v19 =	vpop (erf);
	v58 =	vadd.f32 v39, v39  }
0x170: {  	v54 =	vadd.f32 $1.000000000e+00, v33;
	(erf) = vrcp.f32 v38;
	v20 =	vpop (erf)  }
0x171: {  	v55 =	vadd.f32 $1.000000000e+00, v35;
	(erf) = vrcp.f32 v53;
	v21 =	vpop (erf);
	v4 =	vadd.f32 $-1.000000000e+00, v58  }
0x172: {  	v56 =	vadd.f32 $1.000000000e+00, v37;
	(erf) = vrcp.f32 v54;
	v22 =	vpop (erf)  }
0x173: {  	(erf) = vrcp.f32 v55;
	v23 =	vpop (erf);
	v4 =	vmul.f32 v4, v4  }
0x174: {  	(erf) = vrcp.f32 v56;
	v24 =	vpop (erf)  }
0x175: {  	v25 =	vpop (erf);
	v11 =	vmul.f32 $2.999033900e-04, v4  }
0x176: {  	v26 =	vpop (erf)  }
0x177: {  	v29 =	vand.u32 $0x1, v50;
	v27 =	vpop (erf);
	v11 =	vadd.f32 $-5.179013130e-03, v11  }
0x178: {  	v30 =	vcvt.s32.f32 v29;
	v29 =	vadd.f32 v20, v20;
	v28 =	vpop (erf)  }
0x179: {  	v54 =	vadd.f32 v24, v24;
	v37 =	vadd.f32 v25, v25;
	v0 =	vpop (erf);
	v11 =	vmul.f32 v11, v4  }
0x17a: {  	v52 =	vand.u32 $0x1, v52;
	v35 =	vadd.f32 v26, v26;
	v1 =	vpop (erf);
	v15 =	vadd.f32 v0, v0  }
0x17b: {  	v36 =	vand.u32 $0x1, v17;
	v2 =	vpop (erf);
	v9 =	vadd.f32 v1, v1;
	v11 =	vadd.f32 $1.249936000e-01, v11  }
0x17c: {  	v53 =	vcvt.s32.f32 v52;
	v57 =	vpop (erf);
	v60 =	vadd.f32 v2, v2;
	v15 =	vadd.f32 $-1.000000000e+00, v15  }
0x17d: {  	v59 =	vpop (erf);
	v10 =	vadd.f32 v57, v57;
	v9 =	vadd.f32 $-1.000000000e+00, v9;
	v4 =	vmul.f32 v11, v4  }
0x17e: {  	v56 =	vand.u32 $0x1, v51;
	v8 =	vadd.f32 v59, v59;
	v7 =	vadd.f32 $-1.000000000e+00, v60  }
0x17f: {  	v10 =	vadd.f32 $-1.000000000e+00, v10;
	v9 =	vmul.f32 v9, v9;
	v4 =	vadd.f32 $6.931474800e-01, v4  }
0x180: {  	v15 =	vmul.f32 v15, v15;
	v8 =	vadd.f32 $-1.000000000e+00, v8;
	v7 =	vmul.f32 v7, v7  }
0x181: {  	v10 =	vmul.f32 v10, v10;
	v16 =	vmul.f32 $2.999033900e-04, v9;
	v4 =	vadd.f32 $5.000000000e-01, v4  }
0x182: {  	v18 =	vadd.f32 v27, v27;
	v8 =	vmul.f32 v8, v8;
	v14 =	vmul.f32 $2.999033900e-04, v7  }
0x183: {  	v13 =	vmul.f32 $2.999033900e-04, v10;
	v16 =	vadd.f32 $-5.179013130e-03, v16;
	v4 =	vsub.f32 v39, v4  }
0x184: {  	v34 =	vld [tilespmem:$0x1FFD0];
	v62 =	vmul.f32 $2.999033900e-04, v15;
	v12 =	vmul.f32 $2.999033900e-04, v8;
	v14 =	vadd.f32 $-5.179013130e-03, v14  }
0x185: {  	v13 =	vadd.f32 $-5.179013130e-03, v13;
	v16 =	vmul.f32 v16, v9;
	v4 =	vmul.f32 v30, v4  }
0x186: {  	v30 =	vand.u32 $0x1, v47;
	v12 =	vadd.f32 $-5.179013130e-03, v12;
	v14 =	vmul.f32 v14, v7  }
0x187: {  	v47 =	vand.u32 $0x1, v44;
	v13 =	vmul.f32 v13, v10;
	v63 =	vadd.f32 $1.249936000e-01, v16  }
0x188: {  	v16 =	vadd.f32 v28, v28;
	v12 =	vmul.f32 v12, v8;
	v61 =	vadd.f32 $1.249936000e-01, v14  }
0x189: {  	v4 =	vsub.f32 v34, v4;
	v13 =	vadd.f32 $1.249936000e-01, v13;
	v9 =	vmul.f32 v63, v9  }
0x18a: {  	v11 =	vadd.f32 $-1.000000000e+00, v16;
	v12 =	vadd.f32 $1.249936000e-01, v12;
	v7 =	vmul.f32 v61, v7  }
0x18b: {  	v61 =	vand.u32 $0x1, v49;
	v49 =	vcvt.s32.f32 v47;
	v10 =	vmul.f32 v13, v10  }
0x18c: {  	v13 =	vadd.f32 $-1.000000000e+00, v18;
	v11 =	vmul.f32 v11, v11;
	v9 =	vadd.f32 $6.931474800e-01, v9  }
0x18d: {  	v18 =	vadd.f32 v21, v21;
	v8 =	vmul.f32 v12, v8;
	v12 =	vadd.f32 $-5.179013130e-03, v62  }
0x18e: {  	v7 =	vadd.f32 $6.931474800e-01, v7;
	v31 =	vmul.f32 $2.999033900e-04, v11;
	v10 =	vadd.f32 $6.931474800e-01, v10  }
0x18f: {  	v13 =	vmul.f32 v13, v13;
	v9 =	vadd.f32 $5.000000000e-01, v9;
	v8 =	vadd.f32 $6.931474800e-01, v8  }
0x190: {  	v12 =	vmul.f32 v12, v15;
	v7 =	vadd.f32 $5.000000000e-01, v7;
	v6 =	vadd.f32 $-5.179013130e-03, v31  }
0x191: {  	v32 =	vld [tilespmem:$0x1FFC0];
	v33 =	vmul.f32 $2.999033900e-04, v13;
	v10 =	vadd.f32 $5.000000000e-01, v10;
	v1 =	vsub.f32 v1, v9  }
0x192: {  	v63 =	vcvt.s32.f32 v61;
	v8 =	vadd.f32 $5.000000000e-01, v8;
	v12 =	vadd.f32 $1.249936000e-01, v12  }
0x193: {  	v31 =	vand.u32 $0x1, v46;
	v2 =	vsub.f32 v2, v7;
	v14 =	vadd.f32 $-5.179013130e-03, v33  }
0x194: {  	v6 =	vmul.f32 v6, v11;
	v3 =	vsub.f32 v57, v10;
	v10 =	vadd.f32 $-1.000000000e+00, v37  }
0x195: {  	v57 =	vadd.f32 v23, v23;
	v37 =	vand.u32 $0x1, v45;
	v5 =	vsub.f32 v59, v8  }
0x196: {  	v8 =	vand.u32 $0x1, v32;
	v12 =	vmul.f32 v12, v15;
	v15 =	vadd.f32 $-1.000000000e+00, v35  }
0x197: {  	v2 =	vmul.f32 v53, v2;
	v32 =	vadd.f32 v19, v19;
	v53 =	vand.u32 $0x1, v42  }
0x198: {  	v8 =	vcvt.s32.f32 v8;
	v14 =	vmul.f32 v14, v13;
	v6 =	vadd.f32 $1.249936000e-01, v6  }
0x199: {  	v10 =	vmul.f32 v10, v10;
	v59 =	vadd.f32 $-1.000000000e+00, v57;
	v15 =	vmul.f32 v15, v15  }
0x19a: {  	v12 =	vadd.f32 $6.931474800e-01, v12;
	v5 =	vmul.f32 v8, v5;
	v8 =	vcvt.s32.f32 v36  }
0x19b: {  	v6 =	vmul.f32 v6, v11;
	v38 =	vadd.f32 $1.249936000e-01, v14;
	v55 =	vmul.f32 $2.999033900e-04, v10  }
0x19c: {  	v11 =	vcvt.s32.f32 v56;
	v14 =	vand.u32 $0x1, v48;
	v39 =	vmul.f32 $2.999033900e-04, v15  }
0x19d: {  	v60 =	vadd.f32 $5.000000000e-01, v12;
	v4 =	vsub.f32 v4, v5;
	v3 =	vmul.f32 v8, v3  }
0x19e: {  	v50 =	vmul.f32 v38, v13;
	v7 =	vadd.f32 $-5.179013130e-03, v55;
	v1 =	vmul.f32 v11, v1  }
0x19f: {  	v6 =	vadd.f32 $6.931474800e-01, v6;
	v13 =	vadd.f32 v22, v22;
	v11 =	vcvt.s32.f32 v14  }
0x1a0: {  	v5 =	vadd.f32 $-5.179013130e-03, v39;
	v0 =	vsub.f32 v0, v60;
	v39 =	vcvt.s32.f32 v37  }
0x1a1: {  	v3 =	vsub.f32 v4, v3;
	v4 =	vadd.f32 $-1.000000000e+00, v54;
	v58 =	vmul.f32 v7, v10  }
0x1a2: {  	v7 =	vmul.f32 v59, v59;
	v6 =	vadd.f32 $5.000000000e-01, v6;
	v8 =	vadd.f32 $6.931474800e-01, v50  }
0x1a3: {  	v50 =	vand.u32 $0x1, v43;
	v5 =	vmul.f32 v5, v15;
	v0 =	vmul.f32 v63, v0  }
0x1a4: {  	v2 =	vsub.f32 v3, v2;
	v4 =	vmul.f32 v4, v4;
	v3 =	vadd.f32 $1.249936000e-01, v58  }
0x1a5: {  	v12 =	vmul.f32 $2.999033900e-04, v7;
	v6 =	vsub.f32 v28, v6;
	v8 =	vadd.f32 $5.000000000e-01, v8  }
0x1a6: {  	v5 =	vadd.f32 $1.249936000e-01, v5;
	v62 =	vmul.f32 $2.999033900e-04, v4;
	v1 =	vsub.f32 v2, v1  }
0x1a7: {  	v3 =	vmul.f32 v3, v10;
	v2 =	vadd.f32 $-5.179013130e-03, v12;
	v10 =	vadd.f32 $-1.000000000e+00, v13  }
0x1a8: {  	v6 =	vmul.f32 v11, v6;
	v8 =	vsub.f32 v27, v8;
	v9 =	vadd.f32 $-5.179013130e-03, v62  }
0x1a9: {  	v5 =	vmul.f32 v5, v15;
	v0 =	vsub.f32 v1, v0;
	v15 =	vmul.f32 v2, v7  }
0x1aa: {  	v17 =	vmul.f32 v10, v10;
	v3 =	vadd.f32 $6.931474800e-01, v3;
	v9 =	vmul.f32 v9, v4  }
0x1ab: {  	v10 =	vcvt.s32.f32 v30;
	v5 =	vadd.f32 $6.931474800e-01, v5;
	v1 =	vadd.f32 $1.249936000e-01, v15  }
0x1ac: {  	v51 =	vcvt.s32.f32 v50;
	v0 =	vsub.f32 v0, v6;
	v16 =	vadd.f32 $1.249936000e-01, v9  }
0x1ad: {  	v28 =	vmul.f32 $2.999033900e-04, v17;
	v8 =	vmul.f32 v10, v8;
	v10 =	vadd.f32 $-1.000000000e+00, v32  }
0x1ae: {  	v3 =	vadd.f32 $5.000000000e-01, v3;
	v2 =	vmul.f32 v16, v4;
	v4 =	vadd.f32 $-1.000000000e+00, v18  }
0x1af: {  	v11 =	vcvt.s32.f32 v31;
	v5 =	vadd.f32 $5.000000000e-01, v5;
	v6 =	vadd.f32 $-5.179013130e-03, v28  }
0x1b0: {  	v1 =	vmul.f32 v1, v7;
	v7 =	vadd.f32 $-1.000000000e+00, v29;
	v4 =	vmul.f32 v4, v4  }
0x1b1: {  	v35 =	vmul.f32 v10, v10;
	v3 =	vsub.f32 v25, v3;
	v6 =	vmul.f32 v6, v17  }
0x1b2: {  	v0 =	vsub.f32 v0, v8;
	v7 =	vmul.f32 v7, v7;
	v33 =	vmul.f32 $2.999033900e-04, v4  }
0x1b3: {  	v5 =	vsub.f32 v26, v5;
	v38 =	vmul.f32 $2.999033900e-04, v35;
	v3 =	vmul.f32 v39, v3  }
0x1b4: {  	v1 =	vadd.f32 $6.931474800e-01, v1;
	v34 =	vmul.f32 $2.999033900e-04, v7;
	v12 =	vadd.f32 $-5.179013130e-03, v33  }
0x1b5: {  	v5 =	vmul.f32 v11, v5;
	v6 =	vadd.f32 $1.249936000e-01, v6;
	v2 =	vadd.f32 $6.931474800e-01, v2  }
0x1b6: {  	v45 =	vadd.f32 $-5.179013130e-03, v38;
	v9 =	vadd.f32 $-5.179013130e-03, v34;
	v36 =	vmul.f32 v12, v4  }
0x1b7: {  	v1 =	vadd.f32 $5.000000000e-01, v1;
	v6 =	vmul.f32 v6, v17;
	v2 =	vadd.f32 $5.000000000e-01, v2  }
0x1b8: {  	v0 =	vsub.f32 v0, v5;
	v9 =	vmul.f32 v9, v7;
	v10 =	vadd.f32 $1.249936000e-01, v36  }
0x1b9: {  	v48 =	vmul.f32 v45, v35;
	v2 =	vsub.f32 v24, v2;
	v6 =	vadd.f32 $6.931474800e-01, v6  }
0x1ba: {  	v55 =	vld [tilespmem:$0x1FFB0];
	v1 =	vsub.f32 v23, v1;
	v9 =	vadd.f32 $1.249936000e-01, v9;
	v4 =	vmul.f32 v10, v4  }
0x1bb: {  	v0 =	vsub.f32 v0, v3;
	v2 =	vmul.f32 v49, v2;
	v6 =	vadd.f32 $5.000000000e-01, v6  }
0x1bc: {  	v46 =	vmul.f32 v9, v7;
	v9 =	vadd.f32 $1.249936000e-01, v48;
	v4 =	vadd.f32 $6.931474800e-01, v4  }
0x1bd: {  	v59 =	vld [tilespmem:$0x1FFA0];
	v1 =	vmul.f32 v51, v1;
	v0 =	vsub.f32 v0, v2;
	v54 =	vsub.f32 v22, v6  }
0x1be: {  	v2 =	vcvt.s32.f32 v53;
	v52 =	vmul.f32 v9, v35;
	v4 =	vadd.f32 $5.000000000e-01, v4  }
0x1bf: {  	v62 =	vld [tilespmem:$0x1FF90];
	v0 =	vsub.f32 v0, v1;
	v1 =	vand.u32 $0x1, v55;
	v5 =	vadd.f32 $6.931474800e-01, v46  }
0x1c0: {  	v2 =	vmul.f32 v2, v54;
	v1 =	vcvt.s32.f32 v1;
	v56 =	vsub.f32 v21, v4  }
0x1c1: {  	v57 =	vadd.f32 $5.000000000e-01, v5;
	v58 =	vadd.f32 $6.931474800e-01, v52  }
0x1c2: {  	v0 =	vsub.f32 v0, v2;
	v2 =	vand.u32 $0x1, v59;
	v1 =	vmul.f32 v1, v56  }
0x1c3: {  	v2 =	vcvt.s32.f32 v2;
	v60 =	vsub.f32 v20, v57;
	v61 =	vadd.f32 $5.000000000e-01, v58  }
0x1c4: {  	v0 =	vsub.f32 v0, v1;
	v1 =	vand.u32 $0x1, v62  }
0x1c5: {  	v2 =	vmul.f32 v2, v60;
	v63 =	vsub.f32 v19, v61;
	v1 =	vcvt.s32.f32 v1;
	_ =	sdelay $0x1  }
0x1c6: {  	v0 =	vsub.f32 v0, v2;
	v1 =	vmul.f32 v1, v63;
	_ =	sdelay $0x1  }
0x1c7: {  	s13 =	sadd.s32 $0x1, s13;
	v0 =	vsub.f32 v0, v1  }
0x1c8: {  	p0 =	sne.s32 s13, s7  }
.Ltmp1:
0x1c9: {  	[tilespmem:$0x18080] =	vst v0;
	(pc) =	sbr.rel @p0 .LBB2_1-.Ltmp1, $4  }
0x1ca: {  	[hbm4b:s6+s2] =	stream.linear.scatter [tilespmem:s12], [sflag:$0x2], $0x80, $0x38;
	[tilespmem:$0x18100] =	vst v63  }
0x1cb: {  	_ =	swait.ge [sflag:s9], $0x80  }
0x1cc: {  	[sflag:s9] =	ssyncset.done $0x0  }
0x1cd: {  	[sflag:s9] =	ssyncadd.s32 $0xFFFFFF80  }
0x1ce: {  	_ =	sfence.sel $0x180000  }
0x1cf: {  	[bflag:$0x0] =	sbarrier.arrive $0xFFFF  }
0x1d0: {  	p0 =	sne.s32 s0, $0x0;
	_ =	strace $0x90000047  }
0x1d1: {  	s0 =	sadd.s32 @!p0 $0x100000, s1;
	[bflag:$0x2] =	sbarrier.arrive $0xFFFF  }
0x1d2: {  	[sflag:s0] =	ssyncadd.tile.s32 @!p0 $0x1;
	_ =	shalt  }
.Lfunc_end2:
_tile_overlayer_lowered:
.L_overlay_start_2:
0x1d3: {  	(tag) =	ssettag $0x2  }
0x1d4: {  	s0 =	rddreg [dreg:$0x0];
	s2 =	stileid.u32  }
0x1d5: {  	s1 =	rddreg [dreg:$0x1];
	p0 =	sne.s32 s2, $0x0  }
0x1d6: {  	s3 =	rddreg [dreg:$0x2];
	[bflag:$0x3] =	sbarrier.arrive $0xFFFF;
	s2 =	simm.s32 @!p0 $0x1C02  }
0x1d7: {  	[timem:s3], [sflag:s2] =	dma.local @!p0 [hbm:s0], s1  }
0x1d8: {  	s0 =	simm.s32 @!p0 $0x2  }
0x1d9: {  	_ =	swait.ge @!p0 [sflag:s0], s1  }
0x1da: {  	s1 =	ssub.s32 @!p0 $0x0, s1;
	[sflag:s0] =	ssyncset.done @!p0 $0x0  }
0x1db: {  	[sflag:s0] =	ssyncadd.s32 @!p0 s1  }
0x1dc: {  	[bflag:$0x3] =	sbarrier.arrive $0xFFFF  }
0x1dd: {  	_ =	shalt  }

</sc_bundles>
